<compile_context>
chip_gen: v7x
topology: tpu7x:2x2x1
jax: 0.10.2.dev20260603
libtpu: 0.0.44.dev20260713+nightly
codegen_flags: <defaults>
</compile_context>

<pallas_src>
import functools

import jax
import jax.numpy as jnp
from jax import lax
from jax.experimental import pallas as pl
from jax.experimental.pallas import tpu as pltpu
from jax.experimental.pallas import tpu_sc as plsc

_SMOOTH = 1e-05
_B, _H, _W = 16, 512, 512
_N = _B * _H * _W
_NC, _NS, _L = 2, 16, 16
_NW = _NC * _NS

_SC_B = 2
_TC_B = _B - _SC_B
_WROWS = (_SC_B * _H) // _NW
_CH = 32
_NCHUNK = _WROWS // _CH

_TC_BLOCK_B = 2
_TC_GRID = _TC_B // _TC_BLOCK_B

_MESH = plsc.VectorSubcoreMesh(core_axis_name="c", subcore_axis_name="s")


@functools.partial(
    pl.kernel,
    out_type=jax.ShapeDtypeStruct((_NW, 128), jnp.float32),
    mesh=_MESH,
    scratch_types=[
        pltpu.VMEM((_CH, _W), jnp.float32),
        pltpu.VMEM((_CH, _W), jnp.float32),
        pltpu.VMEM((_CH, _W), jnp.float32),
        pltpu.VMEM((_CH, _W), jnp.float32),
        pltpu.VMEM((128,), jnp.float32),
        pltpu.SemaphoreType.DMA,
        pltpu.SemaphoreType.DMA,
    ],
)
def _sc_partials(x_hbm, t_hbm, out_hbm, xb0, tb0, xb1, tb1, pb, sem0, sem1):
    wid = lax.axis_index("s") * _NC + lax.axis_index("c")
    row0 = _TC_B * _H + wid * _WROWS
    b = row0 // _H
    h0 = row0 % _H

    bufs = ((xb0, tb0, sem0), (xb1, tb1, sem1))

    def start(k):
        xb, tb, sem = bufs[k % 2]
        cx = pltpu.async_copy(x_hbm.at[b, pl.ds(h0 + k * _CH, _CH), :], xb, sem)
        ct = pltpu.async_copy(t_hbm.at[b, pl.ds(h0 + k * _CH, _CH), :], tb, sem)
        return cx, ct

    def consume(k, accs):
        xb, tb, _ = bufs[k % 2]

        def row(r, accs2):
            a_t, a_st, a_ss, a_sst = accs2
            for j in range(_W // _L):
                xv = xb[r, pl.ds(j * _L, _L)]
                tv = tb[r, pl.ds(j * _L, _L)]
                s = 1.0 / (1.0 + jnp.exp(-xv))
                ss = s * s
                a_t = a_t + tv
                a_st = a_st + s * tv
                a_ss = a_ss + ss
                a_sst = a_sst + ss * tv
            return (a_t, a_st, a_ss, a_sst)

        return lax.fori_loop(0, _CH, row, accs)

    z = jnp.zeros((_L,), jnp.float32)
    accs = (z, z, z, z)
    pending = start(0)
    for k in range(_NCHUNK):
        nxt = start(k + 1) if k + 1 < _NCHUNK else None
        pending[0].wait()
        pending[1].wait()
        accs = consume(k, accs)
        pending = nxt

    a_t, a_st, a_ss, a_sst = accs
    pb[pl.ds(0 * _L, _L)] = a_t
    pb[pl.ds(1 * _L, _L)] = a_st
    pb[pl.ds(2 * _L, _L)] = a_ss
    pb[pl.ds(3 * _L, _L)] = a_sst
    pb[pl.ds(4 * _L, _L)] = z
    pb[pl.ds(5 * _L, _L)] = z
    pb[pl.ds(6 * _L, _L)] = z
    pb[pl.ds(7 * _L, _L)] = z
    pltpu.sync_copy(pb, out_hbm.at[wid])


def _tc_body(x_ref, t_ref, acc_ref):
    i = pl.program_id(0)

    @pl.when(i == 0)
    def _init():
        acc_ref[...] = jnp.zeros((4, _W), jnp.float32)

    x = x_ref[...]
    t = t_ref[...]
    s = 0.5 * jnp.tanh(0.5 * x) + 0.5
    ss = s * s
    acc_ref[0:1, :] += jnp.sum(t, axis=(0, 1))[None, :]
    acc_ref[1:2, :] += jnp.sum(s * t, axis=(0, 1))[None, :]
    acc_ref[2:3, :] += jnp.sum(ss, axis=(0, 1))[None, :]
    acc_ref[3:4, :] += jnp.sum(ss * t, axis=(0, 1))[None, :]


def _fin_body(tc_ref, sc_ref, out_ref):
    p = sc_ref[...]
    q = tc_ref[...]
    a = jnp.sum(p[:, 0:16]) + jnp.sum(q[0, :])
    b = jnp.sum(p[:, 16:32]) + jnp.sum(q[1, :])
    c = jnp.sum(p[:, 32:48]) + jnp.sum(q[2, :])
    d = jnp.sum(p[:, 48:64]) + jnp.sum(q[3, :])
    n1 = a + _SMOOTH
    n0 = (_N - a) + _SMOOTH
    w1 = 1.0 / (n1 * n1)
    w0 = 1.0 / (n0 * n0)
    inter = w1 * b
    denom = w1 * (d + a) + w0 * (c - d)
    out_ref[0] = 1.0 - (2.0 * inter + _SMOOTH) / (denom + _SMOOTH)


def kernel(input, target):
    x = input.reshape(_B, _H, _W)
    t = target.reshape(_B, _H, _W)
    tc_partials = pl.pallas_call(
        _tc_body,
        grid=(_TC_GRID,),
        in_specs=[
            pl.BlockSpec((_TC_BLOCK_B, _H, _W), lambda i: (i, 0, 0)),
            pl.BlockSpec((_TC_BLOCK_B, _H, _W), lambda i: (i, 0, 0)),
        ],
        out_specs=pl.BlockSpec(memory_space=pltpu.VMEM),
        out_shape=jax.ShapeDtypeStruct((4, _W), jnp.float32),
    )(x, t)
    sc_partials = _sc_partials(x, t)
    out = pl.pallas_call(
        _fin_body,
        out_specs=pl.BlockSpec(memory_space=pltpu.SMEM),
        out_shape=jax.ShapeDtypeStruct((1,), jnp.float32),
    )(tc_partials, sc_partials)
    return out[0]

# --- scband reference (transcript-rebuilt; emitter-appended) ---
"""Pipeline reference for scband-balanced-loss-4870492913844 (READ-ONLY COPY).

The authoritative reference and input builder live on the scoring server;
editing this copy changes nothing except your own understanding.
"""

import jax, jax.numpy as jnp
import numpy as np

SMOOTH = 1e-05


def setup_inputs(seed: int = 0) -> dict:
    key = jax.random.key(seed)
    k1, k2 = jax.random.split(key)
    inp = jax.random.normal(k1, (16, 1, 512, 512), dtype=jnp.float32)
    target = jax.random.randint(k2, (16, 1, 512, 512), 0, 2).astype(jnp.float32)
    return {"input": inp, "target": target}


def reference(input, target):
    x = jax.nn.sigmoid(input)
    input_flat = x.reshape(-1)
    target_flat = target.reshape(-1)
    t_int = target_flat.astype(jnp.int32)
    # histogram of class labels (binary labels -> 2 bins)
    class_frequencies = jnp.bincount(t_int, length=2).astype(jnp.float32)
    class_weights = 1.0 / (class_frequencies + SMOOTH) ** 2
    weights = class_weights[t_int]
    intersection = jnp.sum(weights * input_flat * target_flat)
    denominator = jnp.sum(weights * (input_flat * input_flat + target_flat * target_flat))
    dice_loss = 1.0 - (2.0 * intersection + SMOOTH) / (denominator + SMOOTH)
    return dice_loss

if __name__ == "__main__":
    import jax
    _d = setup_inputs()
    print(jax.jit(kernel)(*tuple(_d.values())))

</pallas_src>

<mosaic_0001>
#map = affine_map<(d0, d1) -> (0, 0, 0)>
#map1 = affine_map<(d0, d1) -> (0, 0)>
module attributes {stable_mosaic.version = 14 : i64} {
  func.func @_sc_partials(%arg0: i32, %arg1: i32, %arg2: memref<16x512x512xf32, #tpu.memory_space<hbm>>, %arg3: memref<16x512x512xf32, #tpu.memory_space<hbm>>, %arg4: memref<32x128xf32, #tpu.memory_space<hbm>>, %arg5: memref<32x512xf32, #tpu.memory_space<vmem>>, %arg6: memref<32x512xf32, #tpu.memory_space<vmem>>, %arg7: memref<32x512xf32, #tpu.memory_space<vmem>>, %arg8: memref<32x512xf32, #tpu.memory_space<vmem>>, %arg9: memref<128xf32, #tpu.memory_space<vmem>>, %arg10: memref<!tpu.dma_semaphore, #tpu.memory_space<semaphore_mem>>, %arg11: memref<!tpu.dma_semaphore, #tpu.memory_space<semaphore_mem>>) attributes {dimension_semantics = [#tpu.dimension_semantics<core_parallel>, #tpu.dimension_semantics<subcore_parallel>], iteration_bounds = array<i64: 2, 16>, scalar_prefetch = 0 : i64, scratch_operands = 7 : i64, tpu.core_type = #tpu.core_type<sc_vector_subcore>, window_params = [{transform_indices = #map}, {transform_indices = #map}, {transform_indices = #map1}]} {
    %mul3A = arith.constant 2 : i32
    %mul3A_0 = arith.muli %arg1, %mul3A : i32
    %add3A = arith.addi %mul3A_0, %arg0 : i32
    %mul3A_1 = arith.constant 32 : i32
    %mul3A_2 = arith.muli %add3A, %mul3A_1 : i32
    %add3A_3 = arith.constant 7168 : i32
    %add3A_4 = arith.addi %add3A_3, %mul3A_2 : i32
    %jit3A = arith.constant 512 : i32
    %div3A = arith.divsi %add3A_4, %jit3A : i32
    %sign3A = arith.constant 0 : i32
    %sign3A_5 = arith.cmpi sgt, %add3A_4, %sign3A : i32
    %sign3A_6 = arith.extui %sign3A_5 : i1 to i32
    %sign3A_7 = arith.constant 0 : i32
    %sign3A_8 = arith.cmpi slt, %add3A_4, %sign3A_7 : i32
    %sign3A_9 = arith.extui %sign3A_8 : i1 to i32
    %sign3A_10 = arith.subi %sign3A_6, %sign3A_9 : i32
    %sign3A_11 = arith.constant 0 : i32
    %sign3A_12 = arith.cmpi sgt, %jit3A, %sign3A_11 : i32
    %sign3A_13 = arith.extui %sign3A_12 : i1 to i32
    %sign3A_14 = arith.constant 0 : i32
    %sign3A_15 = arith.cmpi slt, %jit3A, %sign3A_14 : i32
    %sign3A_16 = arith.extui %sign3A_15 : i1 to i32
    %sign3A_17 = arith.subi %sign3A_13, %sign3A_16 : i32
    %ne3A = arith.cmpi ne, %sign3A_10, %sign3A_17 : i32
    %rem3A = arith.remsi %add3A_4, %jit3A : i32
    %ne3A_18 = arith.constant 0 : i32
    %ne3A_19 = arith.cmpi ne, %rem3A, %ne3A_18 : i32
    %and3A = arith.andi %ne3A, %ne3A_19 : i1
    %sub3A = arith.constant 1 : i32
    %sub3A_20 = arith.subi %div3A, %sub3A : i32
    %select_n3A = arith.select %and3A, %sub3A_20, %div3A : i32
    %jit3A_21 = arith.constant 512 : i32
    %eq3A = arith.constant 0 : i32
    %eq3A_22 = arith.cmpi eq, %jit3A_21, %eq3A : i32
    %jit3A_23 = arith.constant 1 : i32
    %select_n3A_24 = arith.select %eq3A_22, %jit3A_23, %jit3A_21 : i32
    %rem3A_25 = arith.remsi %add3A_4, %select_n3A_24 : i32
    %ne3A_26 = arith.constant 0 : i32
    %ne3A_27 = arith.cmpi ne, %rem3A_25, %ne3A_26 : i32
    %lt3A = arith.constant 0 : i32
    %lt3A_28 = arith.cmpi slt, %rem3A_25, %lt3A : i32
    %lt3A_29 = arith.constant 0 : i32
    %lt3A_30 = arith.cmpi slt, %select_n3A_24, %lt3A_29 : i32
    %ne3A_31 = arith.xori %lt3A_28, %lt3A_30 : i1
    %and3A_32 = arith.andi %ne3A_31, %ne3A_27 : i1
    %add3A_33 = arith.addi %rem3A_25, %select_n3A_24 : i32
    %select_n3A_34 = arith.select %and3A_32, %add3A_33, %rem3A_25 : i32
    %broadcast_in_dim3A = arith.constant 0.000000e+00 : f32
    %broadcast_in_dim3A_35 = vector.broadcast %broadcast_in_dim3A : f32 to vector<16xf32>
    %add3A_36 = arith.constant 0 : i32
    %add3A_37 = arith.addi %select_n3A_34, %add3A_36 : i32
    %dma_start3A = arith.constant 0 : i32
    %dma_start3A_38 = tpu.memref_slice %arg2[%select_n3A, %add3A_37, %dma_start3A] : memref<16x512x512xf32, #tpu.memory_space<hbm>> -> memref<1x32x512xf32, #tpu.memory_space<hbm>>
    %dma_start3A_39 = tpu.memref_squeeze %dma_start3A_38 : memref<1x32x512xf32, #tpu.memory_space<hbm>> -> memref<32x512xf32, #tpu.memory_space<hbm>>
    %dma_start3A_40 = arith.constant 0 : i32
    %dma_start3A_41 = tpu.memref_slice %arg2[%select_n3A, %add3A_37, %dma_start3A_40] : memref<16x512x512xf32, #tpu.memory_space<hbm>> -> memref<1x32x512xf32, #tpu.memory_space<hbm>>
    %dma_start3A_42 = tpu.memref_squeeze %dma_start3A_41 : memref<1x32x512xf32, #tpu.memory_space<hbm>> -> memref<32x512xf32, #tpu.memory_space<hbm>>
    tpu.enqueue_dma source(%dma_start3A_42 : memref<32x512xf32, #tpu.memory_space<hbm>>) target(%arg5 : memref<32x512xf32, #tpu.memory_space<vmem>>) target_semaphore(%arg10 : memref<!tpu.dma_semaphore, #tpu.memory_space<semaphore_mem>>)
    %add3A_43 = arith.constant 0 : i32
    %add3A_44 = arith.addi %select_n3A_34, %add3A_43 : i32
    %dma_start3A_45 = arith.constant 0 : i32
    %dma_start3A_46 = tpu.memref_slice %arg3[%select_n3A, %add3A_44, %dma_start3A_45] : memref<16x512x512xf32, #tpu.memory_space<hbm>> -> memref<1x32x512xf32, #tpu.memory_space<hbm>>
    %dma_start3A_47 = tpu.memref_squeeze %dma_start3A_46 : memref<1x32x512xf32, #tpu.memory_space<hbm>> -> memref<32x512xf32, #tpu.memory_space<hbm>>
    %dma_start3A_48 = arith.constant 0 : i32
    %dma_start3A_49 = tpu.memref_slice %arg3[%select_n3A, %add3A_44, %dma_start3A_48] : memref<16x512x512xf32, #tpu.memory_space<hbm>> -> memref<1x32x512xf32, #tpu.memory_space<hbm>>
    %dma_start3A_50 = tpu.memref_squeeze %dma_start3A_49 : memref<1x32x512xf32, #tpu.memory_space<hbm>> -> memref<32x512xf32, #tpu.memory_space<hbm>>
    tpu.enqueue_dma source(%dma_start3A_50 : memref<32x512xf32, #tpu.memory_space<hbm>>) target(%arg6 : memref<32x512xf32, #tpu.memory_space<vmem>>) target_semaphore(%arg10 : memref<!tpu.dma_semaphore, #tpu.memory_space<semaphore_mem>>)
    %dma_wait3A = arith.constant 0 : i32
    %dma_wait3A_51 = tpu.memref_slice %arg2[%select_n3A, %add3A_37, %dma_wait3A] : memref<16x512x512xf32, #tpu.memory_space<hbm>> -> memref<1x32x512xf32, #tpu.memory_space<hbm>>
    %dma_wait3A_52 = tpu.memref_squeeze %dma_wait3A_51 : memref<1x32x512xf32, #tpu.memory_space<hbm>> -> memref<32x512xf32, #tpu.memory_space<hbm>>
    %dma_wait3A_53 = arith.constant 0 : i32
    %dma_wait3A_54 = tpu.memref_slice %arg2[%select_n3A, %add3A_37, %dma_wait3A_53] : memref<16x512x512xf32, #tpu.memory_space<hbm>> -> memref<1x32x512xf32, #tpu.memory_space<hbm>>
    %dma_wait3A_55 = tpu.memref_squeeze %dma_wait3A_54 : memref<1x32x512xf32, #tpu.memory_space<hbm>> -> memref<32x512xf32, #tpu.memory_space<hbm>>
    tpu.wait_dma2 semaphore(%arg10 : memref<!tpu.dma_semaphore, #tpu.memory_space<semaphore_mem>>) src(%dma_wait3A_55 : memref<32x512xf32, #tpu.memory_space<hbm>>) dst(%arg5 : memref<32x512xf32, #tpu.memory_space<vmem>>)
    %dma_wait3A_56 = arith.constant 0 : i32
    %dma_wait3A_57 = tpu.memref_slice %arg3[%select_n3A, %add3A_44, %dma_wait3A_56] : memref<16x512x512xf32, #tpu.memory_space<hbm>> -> memref<1x32x512xf32, #tpu.memory_space<hbm>>
    %dma_wait3A_58 = tpu.memref_squeeze %dma_wait3A_57 : memref<1x32x512xf32, #tpu.memory_space<hbm>> -> memref<32x512xf32, #tpu.memory_space<hbm>>
    %dma_wait3A_59 = arith.constant 0 : i32
    %dma_wait3A_60 = tpu.memref_slice %arg3[%select_n3A, %add3A_44, %dma_wait3A_59] : memref<16x512x512xf32, #tpu.memory_space<hbm>> -> memref<1x32x512xf32, #tpu.memory_space<hbm>>
    %dma_wait3A_61 = tpu.memref_squeeze %dma_wait3A_60 : memref<1x32x512xf32, #tpu.memory_space<hbm>> -> memref<32x512xf32, #tpu.memory_space<hbm>>
    tpu.wait_dma2 semaphore(%arg10 : memref<!tpu.dma_semaphore, #tpu.memory_space<semaphore_mem>>) src(%dma_wait3A_61 : memref<32x512xf32, #tpu.memory_space<hbm>>) dst(%arg6 : memref<32x512xf32, #tpu.memory_space<vmem>>)
    %scan3A = arith.constant 0 : i32
    %scan3A_62 = arith.constant 32 : i32
    %scan3A_63 = arith.addi %scan3A, %scan3A_62 : i32
    %scan3A_64 = arith.constant 1 : i32
    %scan3A_65:4 = scf.for %scan3A_98 = %scan3A to %scan3A_63 step %scan3A_64 iter_args(%scan3A_99 = %broadcast_in_dim3A_35, %scan3A_100 = %broadcast_in_dim3A_35, %scan3A_101 = %broadcast_in_dim3A_35, %scan3A_102 = %broadcast_in_dim3A_35) -> (vector<16xf32>, vector<16xf32>, vector<16xf32>, vector<16xf32>)  : i32 {
      %get3A = arith.index_cast %scan3A_98 : i32 to index
      %get3A_103 = arith.constant 0 : index
      %get3A_104 = tpu.vector_load %arg5[%get3A, %get3A_103] {strides = array<i32>} : memref<32x512xf32, #tpu.memory_space<vmem>>, vector<1x16xf32>,
      %get3A_105 = vector.shape_cast %get3A_104 : vector<1x16xf32> to vector<16xf32>
      %get3A_106 = arith.index_cast %scan3A_98 : i32 to index
      %get3A_107 = arith.constant 0 : index
      %get3A_108 = tpu.vector_load %arg6[%get3A_106, %get3A_107] {strides = array<i32>} : memref<32x512xf32, #tpu.memory_space<vmem>>, vector<1x16xf32>,
      %get3A_109 = vector.shape_cast %get3A_108 : vector<1x16xf32> to vector<16xf32>
      %neg3A = arith.constant 0.000000e+00 : f32
      %neg3A_110 = vector.broadcast %neg3A : f32 to vector<16xf32>
      %neg3A_111 = arith.subf %neg3A_110, %get3A_105 : vector<16xf32>
      %exp3A = math.exp %neg3A_111 : vector<16xf32>
      %add3A_112 = arith.constant 1.000000e+00 : f32
      %add3A_113 = vector.broadcast %add3A_112 : f32 to vector<16xf32>
      %add3A_114 = arith.addf %add3A_113, %exp3A : vector<16xf32>
      %div3A_115 = arith.constant 1.000000e+00 : f32
      %div3A_116 = vector.broadcast %div3A_115 : f32 to vector<16xf32>
      %div3A_117 = arith.divf %div3A_116, %add3A_114 : vector<16xf32>
      %mul3A_118 = arith.mulf %div3A_117, %div3A_117 : vector<16xf32>
      %add3A_119 = arith.addf %scan3A_99, %get3A_109 : vector<16xf32>
      %mul3A_120 = arith.mulf %div3A_117, %get3A_109 : vector<16xf32>
      %add3A_121 = arith.addf %scan3A_100, %mul3A_120 : vector<16xf32>
      %add3A_122 = arith.addf %scan3A_101, %mul3A_118 : vector<16xf32>
      %mul3A_123 = arith.mulf %mul3A_118, %get3A_109 : vector<16xf32>
      %add3A_124 = arith.addf %scan3A_102, %mul3A_123 : vector<16xf32>
      %get3A_125 = arith.index_cast %scan3A_98 : i32 to index
      %get3A_126 = arith.constant 16 : index
      %get3A_127 = tpu.vector_load %arg5[%get3A_125, %get3A_126] {strides = array<i32>} : memref<32x512xf32, #tpu.memory_space<vmem>>, vector<1x16xf32>,
      %get3A_128 = vector.shape_cast %get3A_127 : vector<1x16xf32> to vector<16xf32>
      %get3A_129 = arith.index_cast %scan3A_98 : i32 to index
      %get3A_130 = arith.constant 16 : index
      %get3A_131 = tpu.vector_load %arg6[%get3A_129, %get3A_130] {strides = array<i32>} : memref<32x512xf32, #tpu.memory_space<vmem>>, vector<1x16xf32>,
      %get3A_132 = vector.shape_cast %get3A_131 : vector<1x16xf32> to vector<16xf32>
      %neg3A_133 = arith.constant 0.000000e+00 : f32
      %neg3A_134 = vector.broadcast %neg3A_133 : f32 to vector<16xf32>
      %neg3A_135 = arith.subf %neg3A_134, %get3A_128 : vector<16xf32>
      %exp3A_136 = math.exp %neg3A_135 : vector<16xf32>
      %add3A_137 = arith.constant 1.000000e+00 : f32
      %add3A_138 = vector.broadcast %add3A_137 : f32 to vector<16xf32>
      %add3A_139 = arith.addf %add3A_138, %exp3A_136 : vector<16xf32>
      %div3A_140 = arith.constant 1.000000e+00 : f32
      %div3A_141 = vector.broadcast %div3A_140 : f32 to vector<16xf32>
      %div3A_142 = arith.divf %div3A_141, %add3A_139 : vector<16xf32>
      %mul3A_143 = arith.mulf %div3A_142, %div3A_142 : vector<16xf32>
      %add3A_144 = arith.addf %add3A_119, %get3A_132 : vector<16xf32>
      %mul3A_145 = arith.mulf %div3A_142, %get3A_132 : vector<16xf32>
      %add3A_146 = arith.addf %add3A_121, %mul3A_145 : vector<16xf32>
      %add3A_147 = arith.addf %add3A_122, %mul3A_143 : vector<16xf32>
      %mul3A_148 = arith.mulf %mul3A_143, %get3A_132 : vector<16xf32>
      %add3A_149 = arith.addf %add3A_124, %mul3A_148 : vector<16xf32>
      %get3A_150 = arith.index_cast %scan3A_98 : i32 to index
      %get3A_151 = arith.constant 32 : index
      %get3A_152 = tpu.vector_load %arg5[%get3A_150, %get3A_151] {strides = array<i32>} : memref<32x512xf32, #tpu.memory_space<vmem>>, vector<1x16xf32>,
      %get3A_153 = vector.shape_cast %get3A_152 : vector<1x16xf32> to vector<16xf32>
      %get3A_154 = arith.index_cast %scan3A_98 : i32 to index
      %get3A_155 = arith.constant 32 : index
      %get3A_156 = tpu.vector_load %arg6[%get3A_154, %get3A_155] {strides = array<i32>} : memref<32x512xf32, #tpu.memory_space<vmem>>, vector<1x16xf32>,
      %get3A_157 = vector.shape_cast %get3A_156 : vector<1x16xf32> to vector<16xf32>
      %neg3A_158 = arith.constant 0.000000e+00 : f32
      %neg3A_159 = vector.broadcast %neg3A_158 : f32 to vector<16xf32>
      %neg3A_160 = arith.subf %neg3A_159, %get3A_153 : vector<16xf32>
      %exp3A_161 = math.exp %neg3A_160 : vector<16xf32>
      %add3A_162 = arith.constant 1.000000e+00 : f32
      %add3A_163 = vector.broadcast %add3A_162 : f32 to vector<16xf32>
      %add3A_164 = arith.addf %add3A_163, %exp3A_161 : vector<16xf32>
      %div3A_165 = arith.constant 1.000000e+00 : f32
      %div3A_166 = vector.broadcast %div3A_165 : f32 to vector<16xf32>
      %div3A_167 = arith.divf %div3A_166, %add3A_164 : vector<16xf32>
      %mul3A_168 = arith.mulf %div3A_167, %div3A_167 : vector<16xf32>
      %add3A_169 = arith.addf %add3A_144, %get3A_157 : vector<16xf32>
      %mul3A_170 = arith.mulf %div3A_167, %get3A_157 : vector<16xf32>
      %add3A_171 = arith.addf %add3A_146, %mul3A_170 : vector<16xf32>
      %add3A_172 = arith.addf %add3A_147, %mul3A_168 : vector<16xf32>
      %mul3A_173 = arith.mulf %mul3A_168, %get3A_157 : vector<16xf32>
      %add3A_174 = arith.addf %add3A_149, %mul3A_173 : vector<16xf32>
      %get3A_175 = arith.index_cast %scan3A_98 : i32 to index
      %get3A_176 = arith.constant 48 : index
      %get3A_177 = tpu.vector_load %arg5[%get3A_175, %get3A_176] {strides = array<i32>} : memref<32x512xf32, #tpu.memory_space<vmem>>, vector<1x16xf32>,
      %get3A_178 = vector.shape_cast %get3A_177 : vector<1x16xf32> to vector<16xf32>
      %get3A_179 = arith.index_cast %scan3A_98 : i32 to index
      %get3A_180 = arith.constant 48 : index
      %get3A_181 = tpu.vector_load %arg6[%get3A_179, %get3A_180] {strides = array<i32>} : memref<32x512xf32, #tpu.memory_space<vmem>>, vector<1x16xf32>,
      %get3A_182 = vector.shape_cast %get3A_181 : vector<1x16xf32> to vector<16xf32>
      %neg3A_183 = arith.constant 0.000000e+00 : f32
      %neg3A_184 = vector.broadcast %neg3A_183 : f32 to vector<16xf32>
      %neg3A_185 = arith.subf %neg3A_184, %get3A_178 : vector<16xf32>
      %exp3A_186 = math.exp %neg3A_185 : vector<16xf32>
      %add3A_187 = arith.constant 1.000000e+00 : f32
      %add3A_188 = vector.broadcast %add3A_187 : f32 to vector<16xf32>
      %add3A_189 = arith.addf %add3A_188, %exp3A_186 : vector<16xf32>
      %div3A_190 = arith.constant 1.000000e+00 : f32
      %div3A_191 = vector.broadcast %div3A_190 : f32 to vector<16xf32>
      %div3A_192 = arith.divf %div3A_191, %add3A_189 : vector<16xf32>
      %mul3A_193 = arith.mulf %div3A_192, %div3A_192 : vector<16xf32>
      %add3A_194 = arith.addf %add3A_169, %get3A_182 : vector<16xf32>
      %mul3A_195 = arith.mulf %div3A_192, %get3A_182 : vector<16xf32>
      %add3A_196 = arith.addf %add3A_171, %mul3A_195 : vector<16xf32>
      %add3A_197 = arith.addf %add3A_172, %mul3A_193 : vector<16xf32>
      %mul3A_198 = arith.mulf %mul3A_193, %get3A_182 : vector<16xf32>
      %add3A_199 = arith.addf %add3A_174, %mul3A_198 : vector<16xf32>
      %get3A_200 = arith.index_cast %scan3A_98 : i32 to index
      %get3A_201 = arith.constant 64 : index
      %get3A_202 = tpu.vector_load %arg5[%get3A_200, %get3A_201] {strides = array<i32>} : memref<32x512xf32, #tpu.memory_space<vmem>>, vector<1x16xf32>,
      %get3A_203 = vector.shape_cast %get3A_202 : vector<1x16xf32> to vector<16xf32>
      %get3A_204 = arith.index_cast %scan3A_98 : i32 to index
      %get3A_205 = arith.constant 64 : index
      %get3A_206 = tpu.vector_load %arg6[%get3A_204, %get3A_205] {strides = array<i32>} : memref<32x512xf32, #tpu.memory_space<vmem>>, vector<1x16xf32>,
      %get3A_207 = vector.shape_cast %get3A_206 : vector<1x16xf32> to vector<16xf32>
      %neg3A_208 = arith.constant 0.000000e+00 : f32
      %neg3A_209 = vector.broadcast %neg3A_208 : f32 to vector<16xf32>
      %neg3A_210 = arith.subf %neg3A_209, %get3A_203 : vector<16xf32>
      %exp3A_211 = math.exp %neg3A_210 : vector<16xf32>
      %add3A_212 = arith.constant 1.000000e+00 : f32
      %add3A_213 = vector.broadcast %add3A_212 : f32 to vector<16xf32>
      %add3A_214 = arith.addf %add3A_213, %exp3A_211 : vector<16xf32>
      %div3A_215 = arith.constant 1.000000e+00 : f32
      %div3A_216 = vector.broadcast %div3A_215 : f32 to vector<16xf32>
      %div3A_217 = arith.divf %div3A_216, %add3A_214 : vector<16xf32>
      %mul3A_218 = arith.mulf %div3A_217, %div3A_217 : vector<16xf32>
      %add3A_219 = arith.addf %add3A_194, %get3A_207 : vector<16xf32>
      %mul3A_220 = arith.mulf %div3A_217, %get3A_207 : vector<16xf32>
      %add3A_221 = arith.addf %add3A_196, %mul3A_220 : vector<16xf32>
      %add3A_222 = arith.addf %add3A_197, %mul3A_218 : vector<16xf32>
      %mul3A_223 = arith.mulf %mul3A_218, %get3A_207 : vector<16xf32>
      %add3A_224 = arith.addf %add3A_199, %mul3A_223 : vector<16xf32>
      %get3A_225 = arith.index_cast %scan3A_98 : i32 to index
      %get3A_226 = arith.constant 80 : index
      %get3A_227 = tpu.vector_load %arg5[%get3A_225, %get3A_226] {strides = array<i32>} : memref<32x512xf32, #tpu.memory_space<vmem>>, vector<1x16xf32>,
      %get3A_228 = vector.shape_cast %get3A_227 : vector<1x16xf32> to vector<16xf32>
      %get3A_229 = arith.index_cast %scan3A_98 : i32 to index
      %get3A_230 = arith.constant 80 : index
      %get3A_231 = tpu.vector_load %arg6[%get3A_229, %get3A_230] {strides = array<i32>} : memref<32x512xf32, #tpu.memory_space<vmem>>, vector<1x16xf32>,
      %get3A_232 = vector.shape_cast %get3A_231 : vector<1x16xf32> to vector<16xf32>
      %neg3A_233 = arith.constant 0.000000e+00 : f32
      %neg3A_234 = vector.broadcast %neg3A_233 : f32 to vector<16xf32>
      %neg3A_235 = arith.subf %neg3A_234, %get3A_228 : vector<16xf32>
      %exp3A_236 = math.exp %neg3A_235 : vector<16xf32>
      %add3A_237 = arith.constant 1.000000e+00 : f32
      %add3A_238 = vector.broadcast %add3A_237 : f32 to vector<16xf32>
      %add3A_239 = arith.addf %add3A_238, %exp3A_236 : vector<16xf32>
      %div3A_240 = arith.constant 1.000000e+00 : f32
      %div3A_241 = vector.broadcast %div3A_240 : f32 to vector<16xf32>
      %div3A_242 = arith.divf %div3A_241, %add3A_239 : vector<16xf32>
      %mul3A_243 = arith.mulf %div3A_242, %div3A_242 : vector<16xf32>
      %add3A_244 = arith.addf %add3A_219, %get3A_232 : vector<16xf32>
      %mul3A_245 = arith.mulf %div3A_242, %get3A_232 : vector<16xf32>
      %add3A_246 = arith.addf %add3A_221, %mul3A_245 : vector<16xf32>
      %add3A_247 = arith.addf %add3A_222, %mul3A_243 : vector<16xf32>
      %mul3A_248 = arith.mulf %mul3A_243, %get3A_232 : vector<16xf32>
      %add3A_249 = arith.addf %add3A_224, %mul3A_248 : vector<16xf32>
      %get3A_250 = arith.index_cast %scan3A_98 : i32 to index
      %get3A_251 = arith.constant 96 : index
      %get3A_252 = tpu.vector_load %arg5[%get3A_250, %get3A_251] {strides = array<i32>} : memref<32x512xf32, #tpu.memory_space<vmem>>, vector<1x16xf32>,
      %get3A_253 = vector.shape_cast %get3A_252 : vector<1x16xf32> to vector<16xf32>
      %get3A_254 = arith.index_cast %scan3A_98 : i32 to index
      %get3A_255 = arith.constant 96 : index
      %get3A_256 = tpu.vector_load %arg6[%get3A_254, %get3A_255] {strides = array<i32>} : memref<32x512xf32, #tpu.memory_space<vmem>>, vector<1x16xf32>,
      %get3A_257 = vector.shape_cast %get3A_256 : vector<1x16xf32> to vector<16xf32>
      %neg3A_258 = arith.constant 0.000000e+00 : f32
      %neg3A_259 = vector.broadcast %neg3A_258 : f32 to vector<16xf32>
      %neg3A_260 = arith.subf %neg3A_259, %get3A_253 : vector<16xf32>
      %exp3A_261 = math.exp %neg3A_260 : vector<16xf32>
      %add3A_262 = arith.constant 1.000000e+00 : f32
      %add3A_263 = vector.broadcast %add3A_262 : f32 to vector<16xf32>
      %add3A_264 = arith.addf %add3A_263, %exp3A_261 : vector<16xf32>
      %div3A_265 = arith.constant 1.000000e+00 : f32
      %div3A_266 = vector.broadcast %div3A_265 : f32 to vector<16xf32>
      %div3A_267 = arith.divf %div3A_266, %add3A_264 : vector<16xf32>
      %mul3A_268 = arith.mulf %div3A_267, %div3A_267 : vector<16xf32>
      %add3A_269 = arith.addf %add3A_244, %get3A_257 : vector<16xf32>
      %mul3A_270 = arith.mulf %div3A_267, %get3A_257 : vector<16xf32>
      %add3A_271 = arith.addf %add3A_246, %mul3A_270 : vector<16xf32>
      %add3A_272 = arith.addf %add3A_247, %mul3A_268 : vector<16xf32>
      %mul3A_273 = arith.mulf %mul3A_268, %get3A_257 : vector<16xf32>
      %add3A_274 = arith.addf %add3A_249, %mul3A_273 : vector<16xf32>
      %get3A_275 = arith.index_cast %scan3A_98 : i32 to index
      %get3A_276 = arith.constant 112 : index
      %get3A_277 = tpu.vector_load %arg5[%get3A_275, %get3A_276] {strides = array<i32>} : memref<32x512xf32, #tpu.memory_space<vmem>>, vector<1x16xf32>,
      %get3A_278 = vector.shape_cast %get3A_277 : vector<1x16xf32> to vector<16xf32>
      %get3A_279 = arith.index_cast %scan3A_98 : i32 to index
      %get3A_280 = arith.constant 112 : index
      %get3A_281 = tpu.vector_load %arg6[%get3A_279, %get3A_280] {strides = array<i32>} : memref<32x512xf32, #tpu.memory_space<vmem>>, vector<1x16xf32>,
      %get3A_282 = vector.shape_cast %get3A_281 : vector<1x16xf32> to vector<16xf32>
      %neg3A_283 = arith.constant 0.000000e+00 : f32
      %neg3A_284 = vector.broadcast %neg3A_283 : f32 to vector<16xf32>
      %neg3A_285 = arith.subf %neg3A_284, %get3A_278 : vector<16xf32>
      %exp3A_286 = math.exp %neg3A_285 : vector<16xf32>
      %add3A_287 = arith.constant 1.000000e+00 : f32
      %add3A_288 = vector.broadcast %add3A_287 : f32 to vector<16xf32>
      %add3A_289 = arith.addf %add3A_288, %exp3A_286 : vector<16xf32>
      %div3A_290 = arith.constant 1.000000e+00 : f32
      %div3A_291 = vector.broadcast %div3A_290 : f32 to vector<16xf32>
      %div3A_292 = arith.divf %div3A_291, %add3A_289 : vector<16xf32>
      %mul3A_293 = arith.mulf %div3A_292, %div3A_292 : vector<16xf32>
      %add3A_294 = arith.addf %add3A_269, %get3A_282 : vector<16xf32>
      %mul3A_295 = arith.mulf %div3A_292, %get3A_282 : vector<16xf32>
      %add3A_296 = arith.addf %add3A_271, %mul3A_295 : vector<16xf32>
      %add3A_297 = arith.addf %add3A_272, %mul3A_293 : vector<16xf32>
      %mul3A_298 = arith.mulf %mul3A_293, %get3A_282 : vector<16xf32>
      %add3A_299 = arith.addf %add3A_274, %mul3A_298 : vector<16xf32>
      %get3A_300 = arith.index_cast %scan3A_98 : i32 to index
      %get3A_301 = arith.constant 128 : index
      %get3A_302 = tpu.vector_load %arg5[%get3A_300, %get3A_301] {strides = array<i32>} : memref<32x512xf32, #tpu.memory_space<vmem>>, vector<1x16xf32>,
      %get3A_303 = vector.shape_cast %get3A_302 : vector<1x16xf32> to vector<16xf32>
      %get3A_304 = arith.index_cast %scan3A_98 : i32 to index
      %get3A_305 = arith.constant 128 : index
      %get3A_306 = tpu.vector_load %arg6[%get3A_304, %get3A_305] {strides = array<i32>} : memref<32x512xf32, #tpu.memory_space<vmem>>, vector<1x16xf32>,
      %get3A_307 = vector.shape_cast %get3A_306 : vector<1x16xf32> to vector<16xf32>
      %neg3A_308 = arith.constant 0.000000e+00 : f32
      %neg3A_309 = vector.broadcast %neg3A_308 : f32 to vector<16xf32>
      %neg3A_310 = arith.subf %neg3A_309, %get3A_303 : vector<16xf32>
      %exp3A_311 = math.exp %neg3A_310 : vector<16xf32>
      %add3A_312 = arith.constant 1.000000e+00 : f32
      %add3A_313 = vector.broadcast %add3A_312 : f32 to vector<16xf32>
      %add3A_314 = arith.addf %add3A_313, %exp3A_311 : vector<16xf32>
      %div3A_315 = arith.constant 1.000000e+00 : f32
      %div3A_316 = vector.broadcast %div3A_315 : f32 to vector<16xf32>
      %div3A_317 = arith.divf %div3A_316, %add3A_314 : vector<16xf32>
      %mul3A_318 = arith.mulf %div3A_317, %div3A_317 : vector<16xf32>
      %add3A_319 = arith.addf %add3A_294, %get3A_307 : vector<16xf32>
      %mul3A_320 = arith.mulf %div3A_317, %get3A_307 : vector<16xf32>
      %add3A_321 = arith.addf %add3A_296, %mul3A_320 : vector<16xf32>
      %add3A_322 = arith.addf %add3A_297, %mul3A_318 : vector<16xf32>
      %mul3A_323 = arith.mulf %mul3A_318, %get3A_307 : vector<16xf32>
      %add3A_324 = arith.addf %add3A_299, %mul3A_323 : vector<16xf32>
      %get3A_325 = arith.index_cast %scan3A_98 : i32 to index
      %get3A_326 = arith.constant 144 : index
      %get3A_327 = tpu.vector_load %arg5[%get3A_325, %get3A_326] {strides = array<i32>} : memref<32x512xf32, #tpu.memory_space<vmem>>, vector<1x16xf32>,
      %get3A_328 = vector.shape_cast %get3A_327 : vector<1x16xf32> to vector<16xf32>
      %get3A_329 = arith.index_cast %scan3A_98 : i32 to index
      %get3A_330 = arith.constant 144 : index
      %get3A_331 = tpu.vector_load %arg6[%get3A_329, %get3A_330] {strides = array<i32>} : memref<32x512xf32, #tpu.memory_space<vmem>>, vector<1x16xf32>,
      %get3A_332 = vector.shape_cast %get3A_331 : vector<1x16xf32> to vector<16xf32>
      %neg3A_333 = arith.constant 0.000000e+00 : f32
      %neg3A_334 = vector.broadcast %neg3A_333 : f32 to vector<16xf32>
      %neg3A_335 = arith.subf %neg3A_334, %get3A_328 : vector<16xf32>
      %exp3A_336 = math.exp %neg3A_335 : vector<16xf32>
      %add3A_337 = arith.constant 1.000000e+00 : f32
      %add3A_338 = vector.broadcast %add3A_337 : f32 to vector<16xf32>
      %add3A_339 = arith.addf %add3A_338, %exp3A_336 : vector<16xf32>
      %div3A_340 = arith.constant 1.000000e+00 : f32
      %div3A_341 = vector.broadcast %div3A_340 : f32 to vector<16xf32>
      %div3A_342 = arith.divf %div3A_341, %add3A_339 : vector<16xf32>
      %mul3A_343 = arith.mulf %div3A_342, %div3A_342 : vector<16xf32>
      %add3A_344 = arith.addf %add3A_319, %get3A_332 : vector<16xf32>
      %mul3A_345 = arith.mulf %div3A_342, %get3A_332 : vector<16xf32>
      %add3A_346 = arith.addf %add3A_321, %mul3A_345 : vector<16xf32>
      %add3A_347 = arith.addf %add3A_322, %mul3A_343 : vector<16xf32>
      %mul3A_348 = arith.mulf %mul3A_343, %get3A_332 : vector<16xf32>
      %add3A_349 = arith.addf %add3A_324, %mul3A_348 : vector<16xf32>
      %get3A_350 = arith.index_cast %scan3A_98 : i32 to index
      %get3A_351 = arith.constant 160 : index
      %get3A_352 = tpu.vector_load %arg5[%get3A_350, %get3A_351] {strides = array<i32>} : memref<32x512xf32, #tpu.memory_space<vmem>>, vector<1x16xf32>,
      %get3A_353 = vector.shape_cast %get3A_352 : vector<1x16xf32> to vector<16xf32>
      %get3A_354 = arith.index_cast %scan3A_98 : i32 to index
      %get3A_355 = arith.constant 160 : index
      %get3A_356 = tpu.vector_load %arg6[%get3A_354, %get3A_355] {strides = array<i32>} : memref<32x512xf32, #tpu.memory_space<vmem>>, vector<1x16xf32>,
      %get3A_357 = vector.shape_cast %get3A_356 : vector<1x16xf32> to vector<16xf32>
      %neg3A_358 = arith.constant 0.000000e+00 : f32
      %neg3A_359 = vector.broadcast %neg3A_358 : f32 to vector<16xf32>
      %neg3A_360 = arith.subf %neg3A_359, %get3A_353 : vector<16xf32>
      %exp3A_361 = math.exp %neg3A_360 : vector<16xf32>
      %add3A_362 = arith.constant 1.000000e+00 : f32
      %add3A_363 = vector.broadcast %add3A_362 : f32 to vector<16xf32>
      %add3A_364 = arith.addf %add3A_363, %exp3A_361 : vector<16xf32>
      %div3A_365 = arith.constant 1.000000e+00 : f32
      %div3A_366 = vector.broadcast %div3A_365 : f32 to vector<16xf32>
      %div3A_367 = arith.divf %div3A_366, %add3A_364 : vector<16xf32>
      %mul3A_368 = arith.mulf %div3A_367, %div3A_367 : vector<16xf32>
      %add3A_369 = arith.addf %add3A_344, %get3A_357 : vector<16xf32>
      %mul3A_370 = arith.mulf %div3A_367, %get3A_357 : vector<16xf32>
      %add3A_371 = arith.addf %add3A_346, %mul3A_370 : vector<16xf32>
      %add3A_372 = arith.addf %add3A_347, %mul3A_368 : vector<16xf32>
      %mul3A_373 = arith.mulf %mul3A_368, %get3A_357 : vector<16xf32>
      %add3A_374 = arith.addf %add3A_349, %mul3A_373 : vector<16xf32>
      %get3A_375 = arith.index_cast %scan3A_98 : i32 to index
      %get3A_376 = arith.constant 176 : index
      %get3A_377 = tpu.vector_load %arg5[%get3A_375, %get3A_376] {strides = array<i32>} : memref<32x512xf32, #tpu.memory_space<vmem>>, vector<1x16xf32>,
      %get3A_378 = vector.shape_cast %get3A_377 : vector<1x16xf32> to vector<16xf32>
      %get3A_379 = arith.index_cast %scan3A_98 : i32 to index
      %get3A_380 = arith.constant 176 : index
      %get3A_381 = tpu.vector_load %arg6[%get3A_379, %get3A_380] {strides = array<i32>} : memref<32x512xf32, #tpu.memory_space<vmem>>, vector<1x16xf32>,
      %get3A_382 = vector.shape_cast %get3A_381 : vector<1x16xf32> to vector<16xf32>
      %neg3A_383 = arith.constant 0.000000e+00 : f32
      %neg3A_384 = vector.broadcast %neg3A_383 : f32 to vector<16xf32>
      %neg3A_385 = arith.subf %neg3A_384, %get3A_378 : vector<16xf32>
      %exp3A_386 = math.exp %neg3A_385 : vector<16xf32>
      %add3A_387 = arith.constant 1.000000e+00 : f32
      %add3A_388 = vector.broadcast %add3A_387 : f32 to vector<16xf32>
      %add3A_389 = arith.addf %add3A_388, %exp3A_386 : vector<16xf32>
      %div3A_390 = arith.constant 1.000000e+00 : f32
      %div3A_391 = vector.broadcast %div3A_390 : f32 to vector<16xf32>
      %div3A_392 = arith.divf %div3A_391, %add3A_389 : vector<16xf32>
      %mul3A_393 = arith.mulf %div3A_392, %div3A_392 : vector<16xf32>
      %add3A_394 = arith.addf %add3A_369, %get3A_382 : vector<16xf32>
      %mul3A_395 = arith.mulf %div3A_392, %get3A_382 : vector<16xf32>
      %add3A_396 = arith.addf %add3A_371, %mul3A_395 : vector<16xf32>
      %add3A_397 = arith.addf %add3A_372, %mul3A_393 : vector<16xf32>
      %mul3A_398 = arith.mulf %mul3A_393, %get3A_382 : vector<16xf32>
      %add3A_399 = arith.addf %add3A_374, %mul3A_398 : vector<16xf32>
      %get3A_400 = arith.index_cast %scan3A_98 : i32 to index
      %get3A_401 = arith.constant 192 : index
      %get3A_402 = tpu.vector_load %arg5[%get3A_400, %get3A_401] {strides = array<i32>} : memref<32x512xf32, #tpu.memory_space<vmem>>, vector<1x16xf32>,
      %get3A_403 = vector.shape_cast %get3A_402 : vector<1x16xf32> to vector<16xf32>
      %get3A_404 = arith.index_cast %scan3A_98 : i32 to index
      %get3A_405 = arith.constant 192 : index
      %get3A_406 = tpu.vector_load %arg6[%get3A_404, %get3A_405] {strides = array<i32>} : memref<32x512xf32, #tpu.memory_space<vmem>>, vector<1x16xf32>,
      %get3A_407 = vector.shape_cast %get3A_406 : vector<1x16xf32> to vector<16xf32>
      %neg3A_408 = arith.constant 0.000000e+00 : f32
      %neg3A_409 = vector.broadcast %neg3A_408 : f32 to vector<16xf32>
      %neg3A_410 = arith.subf %neg3A_409, %get3A_403 : vector<16xf32>
      %exp3A_411 = math.exp %neg3A_410 : vector<16xf32>
      %add3A_412 = arith.constant 1.000000e+00 : f32
      %add3A_413 = vector.broadcast %add3A_412 : f32 to vector<16xf32>
      %add3A_414 = arith.addf %add3A_413, %exp3A_411 : vector<16xf32>
      %div3A_415 = arith.constant 1.000000e+00 : f32
      %div3A_416 = vector.broadcast %div3A_415 : f32 to vector<16xf32>
      %div3A_417 = arith.divf %div3A_416, %add3A_414 : vector<16xf32>
      %mul3A_418 = arith.mulf %div3A_417, %div3A_417 : vector<16xf32>
      %add3A_419 = arith.addf %add3A_394, %get3A_407 : vector<16xf32>
      %mul3A_420 = arith.mulf %div3A_417, %get3A_407 : vector<16xf32>
      %add3A_421 = arith.addf %add3A_396, %mul3A_420 : vector<16xf32>
      %add3A_422 = arith.addf %add3A_397, %mul3A_418 : vector<16xf32>
      %mul3A_423 = arith.mulf %mul3A_418, %get3A_407 : vector<16xf32>
      %add3A_424 = arith.addf %add3A_399, %mul3A_423 : vector<16xf32>
      %get3A_425 = arith.index_cast %scan3A_98 : i32 to index
      %get3A_426 = arith.constant 208 : index
      %get3A_427 = tpu.vector_load %arg5[%get3A_425, %get3A_426] {strides = array<i32>} : memref<32x512xf32, #tpu.memory_space<vmem>>, vector<1x16xf32>,
      %get3A_428 = vector.shape_cast %get3A_427 : vector<1x16xf32> to vector<16xf32>
      %get3A_429 = arith.index_cast %scan3A_98 : i32 to index
      %get3A_430 = arith.constant 208 : index
      %get3A_431 = tpu.vector_load %arg6[%get3A_429, %get3A_430] {strides = array<i32>} : memref<32x512xf32, #tpu.memory_space<vmem>>, vector<1x16xf32>,
      %get3A_432 = vector.shape_cast %get3A_431 : vector<1x16xf32> to vector<16xf32>
      %neg3A_433 = arith.constant 0.000000e+00 : f32
      %neg3A_434 = vector.broadcast %neg3A_433 : f32 to vector<16xf32>
      %neg3A_435 = arith.subf %neg3A_434, %get3A_428 : vector<16xf32>
      %exp3A_436 = math.exp %neg3A_435 : vector<16xf32>
      %add3A_437 = arith.constant 1.000000e+00 : f32
      %add3A_438 = vector.broadcast %add3A_437 : f32 to vector<16xf32>
      %add3A_439 = arith.addf %add3A_438, %exp3A_436 : vector<16xf32>
      %div3A_440 = arith.constant 1.000000e+00 : f32
      %div3A_441 = vector.broadcast %div3A_440 : f32 to vector<16xf32>
      %div3A_442 = arith.divf %div3A_441, %add3A_439 : vector<16xf32>
      %mul3A_443 = arith.mulf %div3A_442, %div3A_442 : vector<16xf32>
      %add3A_444 = arith.addf %add3A_419, %get3A_432 : vector<16xf32>
      %mul3A_445 = arith.mulf %div3A_442, %get3A_432 : vector<16xf32>
      %add3A_446 = arith.addf %add3A_421, %mul3A_445 : vector<16xf32>
      %add3A_447 = arith.addf %add3A_422, %mul3A_443 : vector<16xf32>
      %mul3A_448 = arith.mulf %mul3A_443, %get3A_432 : vector<16xf32>
      %add3A_449 = arith.addf %add3A_424, %mul3A_448 : vector<16xf32>
      %get3A_450 = arith.index_cast %scan3A_98 : i32 to index
      %get3A_451 = arith.constant 224 : index
      %get3A_452 = tpu.vector_load %arg5[%get3A_450, %get3A_451] {strides = array<i32>} : memref<32x512xf32, #tpu.memory_space<vmem>>, vector<1x16xf32>,
      %get3A_453 = vector.shape_cast %get3A_452 : vector<1x16xf32> to vector<16xf32>
      %get3A_454 = arith.index_cast %scan3A_98 : i32 to index
      %get3A_455 = arith.constant 224 : index
      %get3A_456 = tpu.vector_load %arg6[%get3A_454, %get3A_455] {strides = array<i32>} : memref<32x512xf32, #tpu.memory_space<vmem>>, vector<1x16xf32>,
      %get3A_457 = vector.shape_cast %get3A_456 : vector<1x16xf32> to vector<16xf32>
      %neg3A_458 = arith.constant 0.000000e+00 : f32
      %neg3A_459 = vector.broadcast %neg3A_458 : f32 to vector<16xf32>
      %neg3A_460 = arith.subf %neg3A_459, %get3A_453 : vector<16xf32>
      %exp3A_461 = math.exp %neg3A_460 : vector<16xf32>
      %add3A_462 = arith.constant 1.000000e+00 : f32
      %add3A_463 = vector.broadcast %add3A_462 : f32 to vector<16xf32>
      %add3A_464 = arith.addf %add3A_463, %exp3A_461 : vector<16xf32>
      %div3A_465 = arith.constant 1.000000e+00 : f32
      %div3A_466 = vector.broadcast %div3A_465 : f32 to vector<16xf32>
      %div3A_467 = arith.divf %div3A_466, %add3A_464 : vector<16xf32>
      %mul3A_468 = arith.mulf %div3A_467, %div3A_467 : vector<16xf32>
      %add3A_469 = arith.addf %add3A_444, %get3A_457 : vector<16xf32>
      %mul3A_470 = arith.mulf %div3A_467, %get3A_457 : vector<16xf32>
      %add3A_471 = arith.addf %add3A_446, %mul3A_470 : vector<16xf32>
      %add3A_472 = arith.addf %add3A_447, %mul3A_468 : vector<16xf32>
      %mul3A_473 = arith.mulf %mul3A_468, %get3A_457 : vector<16xf32>
      %add3A_474 = arith.addf %add3A_449, %mul3A_473 : vector<16xf32>
      %get3A_475 = arith.index_cast %scan3A_98 : i32 to index
      %get3A_476 = arith.constant 240 : index
      %get3A_477 = tpu.vector_load %arg5[%get3A_475, %get3A_476] {strides = array<i32>} : memref<32x512xf32, #tpu.memory_space<vmem>>, vector<1x16xf32>,
      %get3A_478 = vector.shape_cast %get3A_477 : vector<1x16xf32> to vector<16xf32>
      %get3A_479 = arith.index_cast %scan3A_98 : i32 to index
      %get3A_480 = arith.constant 240 : index
      %get3A_481 = tpu.vector_load %arg6[%get3A_479, %get3A_480] {strides = array<i32>} : memref<32x512xf32, #tpu.memory_space<vmem>>, vector<1x16xf32>,
      %get3A_482 = vector.shape_cast %get3A_481 : vector<1x16xf32> to vector<16xf32>
      %neg3A_483 = arith.constant 0.000000e+00 : f32
      %neg3A_484 = vector.broadcast %neg3A_483 : f32 to vector<16xf32>
      %neg3A_485 = arith.subf %neg3A_484, %get3A_478 : vector<16xf32>
      %exp3A_486 = math.exp %neg3A_485 : vector<16xf32>
      %add3A_487 = arith.constant 1.000000e+00 : f32
      %add3A_488 = vector.broadcast %add3A_487 : f32 to vector<16xf32>
      %add3A_489 = arith.addf %add3A_488, %exp3A_486 : vector<16xf32>
      %div3A_490 = arith.constant 1.000000e+00 : f32
      %div3A_491 = vector.broadcast %div3A_490 : f32 to vector<16xf32>
      %div3A_492 = arith.divf %div3A_491, %add3A_489 : vector<16xf32>
      %mul3A_493 = arith.mulf %div3A_492, %div3A_492 : vector<16xf32>
      %add3A_494 = arith.addf %add3A_469, %get3A_482 : vector<16xf32>
      %mul3A_495 = arith.mulf %div3A_492, %get3A_482 : vector<16xf32>
      %add3A_496 = arith.addf %add3A_471, %mul3A_495 : vector<16xf32>
      %add3A_497 = arith.addf %add3A_472, %mul3A_493 : vector<16xf32>
      %mul3A_498 = arith.mulf %mul3A_493, %get3A_482 : vector<16xf32>
      %add3A_499 = arith.addf %add3A_474, %mul3A_498 : vector<16xf32>
      %get3A_500 = arith.index_cast %scan3A_98 : i32 to index
      %get3A_501 = arith.constant 256 : index
      %get3A_502 = tpu.vector_load %arg5[%get3A_500, %get3A_501] {strides = array<i32>} : memref<32x512xf32, #tpu.memory_space<vmem>>, vector<1x16xf32>,
      %get3A_503 = vector.shape_cast %get3A_502 : vector<1x16xf32> to vector<16xf32>
      %get3A_504 = arith.index_cast %scan3A_98 : i32 to index
      %get3A_505 = arith.constant 256 : index
      %get3A_506 = tpu.vector_load %arg6[%get3A_504, %get3A_505] {strides = array<i32>} : memref<32x512xf32, #tpu.memory_space<vmem>>, vector<1x16xf32>,
      %get3A_507 = vector.shape_cast %get3A_506 : vector<1x16xf32> to vector<16xf32>
      %neg3A_508 = arith.constant 0.000000e+00 : f32
      %neg3A_509 = vector.broadcast %neg3A_508 : f32 to vector<16xf32>
      %neg3A_510 = arith.subf %neg3A_509, %get3A_503 : vector<16xf32>
      %exp3A_511 = math.exp %neg3A_510 : vector<16xf32>
      %add3A_512 = arith.constant 1.000000e+00 : f32
      %add3A_513 = vector.broadcast %add3A_512 : f32 to vector<16xf32>
      %add3A_514 = arith.addf %add3A_513, %exp3A_511 : vector<16xf32>
      %div3A_515 = arith.constant 1.000000e+00 : f32
      %div3A_516 = vector.broadcast %div3A_515 : f32 to vector<16xf32>
      %div3A_517 = arith.divf %div3A_516, %add3A_514 : vector<16xf32>
      %mul3A_518 = arith.mulf %div3A_517, %div3A_517 : vector<16xf32>
      %add3A_519 = arith.addf %add3A_494, %get3A_507 : vector<16xf32>
      %mul3A_520 = arith.mulf %div3A_517, %get3A_507 : vector<16xf32>
      %add3A_521 = arith.addf %add3A_496, %mul3A_520 : vector<16xf32>
      %add3A_522 = arith.addf %add3A_497, %mul3A_518 : vector<16xf32>
      %mul3A_523 = arith.mulf %mul3A_518, %get3A_507 : vector<16xf32>
      %add3A_524 = arith.addf %add3A_499, %mul3A_523 : vector<16xf32>
      %get3A_525 = arith.index_cast %scan3A_98 : i32 to index
      %get3A_526 = arith.constant 272 : index
      %get3A_527 = tpu.vector_load %arg5[%get3A_525, %get3A_526] {strides = array<i32>} : memref<32x512xf32, #tpu.memory_space<vmem>>, vector<1x16xf32>,
      %get3A_528 = vector.shape_cast %get3A_527 : vector<1x16xf32> to vector<16xf32>
      %get3A_529 = arith.index_cast %scan3A_98 : i32 to index
      %get3A_530 = arith.constant 272 : index
      %get3A_531 = tpu.vector_load %arg6[%get3A_529, %get3A_530] {strides = array<i32>} : memref<32x512xf32, #tpu.memory_space<vmem>>, vector<1x16xf32>,
      %get3A_532 = vector.shape_cast %get3A_531 : vector<1x16xf32> to vector<16xf32>
      %neg3A_533 = arith.constant 0.000000e+00 : f32
      %neg3A_534 = vector.broadcast %neg3A_533 : f32 to vector<16xf32>
      %neg3A_535 = arith.subf %neg3A_534, %get3A_528 : vector<16xf32>
      %exp3A_536 = math.exp %neg3A_535 : vector<16xf32>
      %add3A_537 = arith.constant 1.000000e+00 : f32
      %add3A_538 = vector.broadcast %add3A_537 : f32 to vector<16xf32>
      %add3A_539 = arith.addf %add3A_538, %exp3A_536 : vector<16xf32>
      %div3A_540 = arith.constant 1.000000e+00 : f32
      %div3A_541 = vector.broadcast %div3A_540 : f32 to vector<16xf32>
      %div3A_542 = arith.divf %div3A_541, %add3A_539 : vector<16xf32>
      %mul3A_543 = arith.mulf %div3A_542, %div3A_542 : vector<16xf32>
      %add3A_544 = arith.addf %add3A_519, %get3A_532 : vector<16xf32>
      %mul3A_545 = arith.mulf %div3A_542, %get3A_532 : vector<16xf32>
      %add3A_546 = arith.addf %add3A_521, %mul3A_545 : vector<16xf32>
      %add3A_547 = arith.addf %add3A_522, %mul3A_543 : vector<16xf32>
      %mul3A_548 = arith.mulf %mul3A_543, %get3A_532 : vector<16xf32>
      %add3A_549 = arith.addf %add3A_524, %mul3A_548 : vector<16xf32>
      %get3A_550 = arith.index_cast %scan3A_98 : i32 to index
      %get3A_551 = arith.constant 288 : index
      %get3A_552 = tpu.vector_load %arg5[%get3A_550, %get3A_551] {strides = array<i32>} : memref<32x512xf32, #tpu.memory_space<vmem>>, vector<1x16xf32>,
      %get3A_553 = vector.shape_cast %get3A_552 : vector<1x16xf32> to vector<16xf32>
      %get3A_554 = arith.index_cast %scan3A_98 : i32 to index
      %get3A_555 = arith.constant 288 : index
      %get3A_556 = tpu.vector_load %arg6[%get3A_554, %get3A_555] {strides = array<i32>} : memref<32x512xf32, #tpu.memory_space<vmem>>, vector<1x16xf32>,
      %get3A_557 = vector.shape_cast %get3A_556 : vector<1x16xf32> to vector<16xf32>
      %neg3A_558 = arith.constant 0.000000e+00 : f32
      %neg3A_559 = vector.broadcast %neg3A_558 : f32 to vector<16xf32>
      %neg3A_560 = arith.subf %neg3A_559, %get3A_553 : vector<16xf32>
      %exp3A_561 = math.exp %neg3A_560 : vector<16xf32>
      %add3A_562 = arith.constant 1.000000e+00 : f32
      %add3A_563 = vector.broadcast %add3A_562 : f32 to vector<16xf32>
      %add3A_564 = arith.addf %add3A_563, %exp3A_561 : vector<16xf32>
      %div3A_565 = arith.constant 1.000000e+00 : f32
      %div3A_566 = vector.broadcast %div3A_565 : f32 to vector<16xf32>
      %div3A_567 = arith.divf %div3A_566, %add3A_564 : vector<16xf32>
      %mul3A_568 = arith.mulf %div3A_567, %div3A_567 : vector<16xf32>
      %add3A_569 = arith.addf %add3A_544, %get3A_557 : vector<16xf32>
      %mul3A_570 = arith.mulf %div3A_567, %get3A_557 : vector<16xf32>
      %add3A_571 = arith.addf %add3A_546, %mul3A_570 : vector<16xf32>
      %add3A_572 = arith.addf %add3A_547, %mul3A_568 : vector<16xf32>
      %mul3A_573 = arith.mulf %mul3A_568, %get3A_557 : vector<16xf32>
      %add3A_574 = arith.addf %add3A_549, %mul3A_573 : vector<16xf32>
      %get3A_575 = arith.index_cast %scan3A_98 : i32 to index
      %get3A_576 = arith.constant 304 : index
      %get3A_577 = tpu.vector_load %arg5[%get3A_575, %get3A_576] {strides = array<i32>} : memref<32x512xf32, #tpu.memory_space<vmem>>, vector<1x16xf32>,
      %get3A_578 = vector.shape_cast %get3A_577 : vector<1x16xf32> to vector<16xf32>
      %get3A_579 = arith.index_cast %scan3A_98 : i32 to index
      %get3A_580 = arith.constant 304 : index
      %get3A_581 = tpu.vector_load %arg6[%get3A_579, %get3A_580] {strides = array<i32>} : memref<32x512xf32, #tpu.memory_space<vmem>>, vector<1x16xf32>,
      %get3A_582 = vector.shape_cast %get3A_581 : vector<1x16xf32> to vector<16xf32>
      %neg3A_583 = arith.constant 0.000000e+00 : f32
      %neg3A_584 = vector.broadcast %neg3A_583 : f32 to vector<16xf32>
      %neg3A_585 = arith.subf %neg3A_584, %get3A_578 : vector<16xf32>
      %exp3A_586 = math.exp %neg3A_585 : vector<16xf32>
      %add3A_587 = arith.constant 1.000000e+00 : f32
      %add3A_588 = vector.broadcast %add3A_587 : f32 to vector<16xf32>
      %add3A_589 = arith.addf %add3A_588, %exp3A_586 : vector<16xf32>
      %div3A_590 = arith.constant 1.000000e+00 : f32
      %div3A_591 = vector.broadcast %div3A_590 : f32 to vector<16xf32>
      %div3A_592 = arith.divf %div3A_591, %add3A_589 : vector<16xf32>
      %mul3A_593 = arith.mulf %div3A_592, %div3A_592 : vector<16xf32>
      %add3A_594 = arith.addf %add3A_569, %get3A_582 : vector<16xf32>
      %mul3A_595 = arith.mulf %div3A_592, %get3A_582 : vector<16xf32>
      %add3A_596 = arith.addf %add3A_571, %mul3A_595 : vector<16xf32>
      %add3A_597 = arith.addf %add3A_572, %mul3A_593 : vector<16xf32>
      %mul3A_598 = arith.mulf %mul3A_593, %get3A_582 : vector<16xf32>
      %add3A_599 = arith.addf %add3A_574, %mul3A_598 : vector<16xf32>
      %get3A_600 = arith.index_cast %scan3A_98 : i32 to index
      %get3A_601 = arith.constant 320 : index
      %get3A_602 = tpu.vector_load %arg5[%get3A_600, %get3A_601] {strides = array<i32>} : memref<32x512xf32, #tpu.memory_space<vmem>>, vector<1x16xf32>,
      %get3A_603 = vector.shape_cast %get3A_602 : vector<1x16xf32> to vector<16xf32>
      %get3A_604 = arith.index_cast %scan3A_98 : i32 to index
      %get3A_605 = arith.constant 320 : index
      %get3A_606 = tpu.vector_load %arg6[%get3A_604, %get3A_605] {strides = array<i32>} : memref<32x512xf32, #tpu.memory_space<vmem>>, vector<1x16xf32>,
      %get3A_607 = vector.shape_cast %get3A_606 : vector<1x16xf32> to vector<16xf32>
      %neg3A_608 = arith.constant 0.000000e+00 : f32
      %neg3A_609 = vector.broadcast %neg3A_608 : f32 to vector<16xf32>
      %neg3A_610 = arith.subf %neg3A_609, %get3A_603 : vector<16xf32>
      %exp3A_611 = math.exp %neg3A_610 : vector<16xf32>
      %add3A_612 = arith.constant 1.000000e+00 : f32
      %add3A_613 = vector.broadcast %add3A_612 : f32 to vector<16xf32>
      %add3A_614 = arith.addf %add3A_613, %exp3A_611 : vector<16xf32>
      %div3A_615 = arith.constant 1.000000e+00 : f32
      %div3A_616 = vector.broadcast %div3A_615 : f32 to vector<16xf32>
      %div3A_617 = arith.divf %div3A_616, %add3A_614 : vector<16xf32>
      %mul3A_618 = arith.mulf %div3A_617, %div3A_617 : vector<16xf32>
      %add3A_619 = arith.addf %add3A_594, %get3A_607 : vector<16xf32>
      %mul3A_620 = arith.mulf %div3A_617, %get3A_607 : vector<16xf32>
      %add3A_621 = arith.addf %add3A_596, %mul3A_620 : vector<16xf32>
      %add3A_622 = arith.addf %add3A_597, %mul3A_618 : vector<16xf32>
      %mul3A_623 = arith.mulf %mul3A_618, %get3A_607 : vector<16xf32>
      %add3A_624 = arith.addf %add3A_599, %mul3A_623 : vector<16xf32>
      %get3A_625 = arith.index_cast %scan3A_98 : i32 to index
      %get3A_626 = arith.constant 336 : index
      %get3A_627 = tpu.vector_load %arg5[%get3A_625, %get3A_626] {strides = array<i32>} : memref<32x512xf32, #tpu.memory_space<vmem>>, vector<1x16xf32>,
      %get3A_628 = vector.shape_cast %get3A_627 : vector<1x16xf32> to vector<16xf32>
      %get3A_629 = arith.index_cast %scan3A_98 : i32 to index
      %get3A_630 = arith.constant 336 : index
      %get3A_631 = tpu.vector_load %arg6[%get3A_629, %get3A_630] {strides = array<i32>} : memref<32x512xf32, #tpu.memory_space<vmem>>, vector<1x16xf32>,
      %get3A_632 = vector.shape_cast %get3A_631 : vector<1x16xf32> to vector<16xf32>
      %neg3A_633 = arith.constant 0.000000e+00 : f32
      %neg3A_634 = vector.broadcast %neg3A_633 : f32 to vector<16xf32>
      %neg3A_635 = arith.subf %neg3A_634, %get3A_628 : vector<16xf32>
      %exp3A_636 = math.exp %neg3A_635 : vector<16xf32>
      %add3A_637 = arith.constant 1.000000e+00 : f32
      %add3A_638 = vector.broadcast %add3A_637 : f32 to vector<16xf32>
      %add3A_639 = arith.addf %add3A_638, %exp3A_636 : vector<16xf32>
      %div3A_640 = arith.constant 1.000000e+00 : f32
      %div3A_641 = vector.broadcast %div3A_640 : f32 to vector<16xf32>
      %div3A_642 = arith.divf %div3A_641, %add3A_639 : vector<16xf32>
      %mul3A_643 = arith.mulf %div3A_642, %div3A_642 : vector<16xf32>
      %add3A_644 = arith.addf %add3A_619, %get3A_632 : vector<16xf32>
      %mul3A_645 = arith.mulf %div3A_642, %get3A_632 : vector<16xf32>
      %add3A_646 = arith.addf %add3A_621, %mul3A_645 : vector<16xf32>
      %add3A_647 = arith.addf %add3A_622, %mul3A_643 : vector<16xf32>
      %mul3A_648 = arith.mulf %mul3A_643, %get3A_632 : vector<16xf32>
      %add3A_649 = arith.addf %add3A_624, %mul3A_648 : vector<16xf32>
      %get3A_650 = arith.index_cast %scan3A_98 : i32 to index
      %get3A_651 = arith.constant 352 : index
      %get3A_652 = tpu.vector_load %arg5[%get3A_650, %get3A_651] {strides = array<i32>} : memref<32x512xf32, #tpu.memory_space<vmem>>, vector<1x16xf32>,
      %get3A_653 = vector.shape_cast %get3A_652 : vector<1x16xf32> to vector<16xf32>
      %get3A_654 = arith.index_cast %scan3A_98 : i32 to index
      %get3A_655 = arith.constant 352 : index
      %get3A_656 = tpu.vector_load %arg6[%get3A_654, %get3A_655] {strides = array<i32>} : memref<32x512xf32, #tpu.memory_space<vmem>>, vector<1x16xf32>,
      %get3A_657 = vector.shape_cast %get3A_656 : vector<1x16xf32> to vector<16xf32>
      %neg3A_658 = arith.constant 0.000000e+00 : f32
      %neg3A_659 = vector.broadcast %neg3A_658 : f32 to vector<16xf32>
      %neg3A_660 = arith.subf %neg3A_659, %get3A_653 : vector<16xf32>
      %exp3A_661 = math.exp %neg3A_660 : vector<16xf32>
      %add3A_662 = arith.constant 1.000000e+00 : f32
      %add3A_663 = vector.broadcast %add3A_662 : f32 to vector<16xf32>
      %add3A_664 = arith.addf %add3A_663, %exp3A_661 : vector<16xf32>
      %div3A_665 = arith.constant 1.000000e+00 : f32
      %div3A_666 = vector.broadcast %div3A_665 : f32 to vector<16xf32>
      %div3A_667 = arith.divf %div3A_666, %add3A_664 : vector<16xf32>
      %mul3A_668 = arith.mulf %div3A_667, %div3A_667 : vector<16xf32>
      %add3A_669 = arith.addf %add3A_644, %get3A_657 : vector<16xf32>
      %mul3A_670 = arith.mulf %div3A_667, %get3A_657 : vector<16xf32>
      %add3A_671 = arith.addf %add3A_646, %mul3A_670 : vector<16xf32>
      %add3A_672 = arith.addf %add3A_647, %mul3A_668 : vector<16xf32>
      %mul3A_673 = arith.mulf %mul3A_668, %get3A_657 : vector<16xf32>
      %add3A_674 = arith.addf %add3A_649, %mul3A_673 : vector<16xf32>
      %get3A_675 = arith.index_cast %scan3A_98 : i32 to index
      %get3A_676 = arith.constant 368 : index
      %get3A_677 = tpu.vector_load %arg5[%get3A_675, %get3A_676] {strides = array<i32>} : memref<32x512xf32, #tpu.memory_space<vmem>>, vector<1x16xf32>,
      %get3A_678 = vector.shape_cast %get3A_677 : vector<1x16xf32> to vector<16xf32>
      %get3A_679 = arith.index_cast %scan3A_98 : i32 to index
      %get3A_680 = arith.constant 368 : index
      %get3A_681 = tpu.vector_load %arg6[%get3A_679, %get3A_680] {strides = array<i32>} : memref<32x512xf32, #tpu.memory_space<vmem>>, vector<1x16xf32>,
      %get3A_682 = vector.shape_cast %get3A_681 : vector<1x16xf32> to vector<16xf32>
      %neg3A_683 = arith.constant 0.000000e+00 : f32
      %neg3A_684 = vector.broadcast %neg3A_683 : f32 to vector<16xf32>
      %neg3A_685 = arith.subf %neg3A_684, %get3A_678 : vector<16xf32>
      %exp3A_686 = math.exp %neg3A_685 : vector<16xf32>
      %add3A_687 = arith.constant 1.000000e+00 : f32
      %add3A_688 = vector.broadcast %add3A_687 : f32 to vector<16xf32>
      %add3A_689 = arith.addf %add3A_688, %exp3A_686 : vector<16xf32>
      %div3A_690 = arith.constant 1.000000e+00 : f32
      %div3A_691 = vector.broadcast %div3A_690 : f32 to vector<16xf32>
      %div3A_692 = arith.divf %div3A_691, %add3A_689 : vector<16xf32>
      %mul3A_693 = arith.mulf %div3A_692, %div3A_692 : vector<16xf32>
      %add3A_694 = arith.addf %add3A_669, %get3A_682 : vector<16xf32>
      %mul3A_695 = arith.mulf %div3A_692, %get3A_682 : vector<16xf32>
      %add3A_696 = arith.addf %add3A_671, %mul3A_695 : vector<16xf32>
      %add3A_697 = arith.addf %add3A_672, %mul3A_693 : vector<16xf32>
      %mul3A_698 = arith.mulf %mul3A_693, %get3A_682 : vector<16xf32>
      %add3A_699 = arith.addf %add3A_674, %mul3A_698 : vector<16xf32>
      %get3A_700 = arith.index_cast %scan3A_98 : i32 to index
      %get3A_701 = arith.constant 384 : index
      %get3A_702 = tpu.vector_load %arg5[%get3A_700, %get3A_701] {strides = array<i32>} : memref<32x512xf32, #tpu.memory_space<vmem>>, vector<1x16xf32>,
      %get3A_703 = vector.shape_cast %get3A_702 : vector<1x16xf32> to vector<16xf32>
      %get3A_704 = arith.index_cast %scan3A_98 : i32 to index
      %get3A_705 = arith.constant 384 : index
      %get3A_706 = tpu.vector_load %arg6[%get3A_704, %get3A_705] {strides = array<i32>} : memref<32x512xf32, #tpu.memory_space<vmem>>, vector<1x16xf32>,
      %get3A_707 = vector.shape_cast %get3A_706 : vector<1x16xf32> to vector<16xf32>
      %neg3A_708 = arith.constant 0.000000e+00 : f32
      %neg3A_709 = vector.broadcast %neg3A_708 : f32 to vector<16xf32>
      %neg3A_710 = arith.subf %neg3A_709, %get3A_703 : vector<16xf32>
      %exp3A_711 = math.exp %neg3A_710 : vector<16xf32>
      %add3A_712 = arith.constant 1.000000e+00 : f32
      %add3A_713 = vector.broadcast %add3A_712 : f32 to vector<16xf32>
      %add3A_714 = arith.addf %add3A_713, %exp3A_711 : vector<16xf32>
      %div3A_715 = arith.constant 1.000000e+00 : f32
      %div3A_716 = vector.broadcast %div3A_715 : f32 to vector<16xf32>
      %div3A_717 = arith.divf %div3A_716, %add3A_714 : vector<16xf32>
      %mul3A_718 = arith.mulf %div3A_717, %div3A_717 : vector<16xf32>
      %add3A_719 = arith.addf %add3A_694, %get3A_707 : vector<16xf32>
      %mul3A_720 = arith.mulf %div3A_717, %get3A_707 : vector<16xf32>
      %add3A_721 = arith.addf %add3A_696, %mul3A_720 : vector<16xf32>
      %add3A_722 = arith.addf %add3A_697, %mul3A_718 : vector<16xf32>
      %mul3A_723 = arith.mulf %mul3A_718, %get3A_707 : vector<16xf32>
      %add3A_724 = arith.addf %add3A_699, %mul3A_723 : vector<16xf32>
      %get3A_725 = arith.index_cast %scan3A_98 : i32 to index
      %get3A_726 = arith.constant 400 : index
      %get3A_727 = tpu.vector_load %arg5[%get3A_725, %get3A_726] {strides = array<i32>} : memref<32x512xf32, #tpu.memory_space<vmem>>, vector<1x16xf32>,
      %get3A_728 = vector.shape_cast %get3A_727 : vector<1x16xf32> to vector<16xf32>
      %get3A_729 = arith.index_cast %scan3A_98 : i32 to index
      %get3A_730 = arith.constant 400 : index
      %get3A_731 = tpu.vector_load %arg6[%get3A_729, %get3A_730] {strides = array<i32>} : memref<32x512xf32, #tpu.memory_space<vmem>>, vector<1x16xf32>,
      %get3A_732 = vector.shape_cast %get3A_731 : vector<1x16xf32> to vector<16xf32>
      %neg3A_733 = arith.constant 0.000000e+00 : f32
      %neg3A_734 = vector.broadcast %neg3A_733 : f32 to vector<16xf32>
      %neg3A_735 = arith.subf %neg3A_734, %get3A_728 : vector<16xf32>
      %exp3A_736 = math.exp %neg3A_735 : vector<16xf32>
      %add3A_737 = arith.constant 1.000000e+00 : f32
      %add3A_738 = vector.broadcast %add3A_737 : f32 to vector<16xf32>
      %add3A_739 = arith.addf %add3A_738, %exp3A_736 : vector<16xf32>
      %div3A_740 = arith.constant 1.000000e+00 : f32
      %div3A_741 = vector.broadcast %div3A_740 : f32 to vector<16xf32>
      %div3A_742 = arith.divf %div3A_741, %add3A_739 : vector<16xf32>
      %mul3A_743 = arith.mulf %div3A_742, %div3A_742 : vector<16xf32>
      %add3A_744 = arith.addf %add3A_719, %get3A_732 : vector<16xf32>
      %mul3A_745 = arith.mulf %div3A_742, %get3A_732 : vector<16xf32>
      %add3A_746 = arith.addf %add3A_721, %mul3A_745 : vector<16xf32>
      %add3A_747 = arith.addf %add3A_722, %mul3A_743 : vector<16xf32>
      %mul3A_748 = arith.mulf %mul3A_743, %get3A_732 : vector<16xf32>
      %add3A_749 = arith.addf %add3A_724, %mul3A_748 : vector<16xf32>
      %get3A_750 = arith.index_cast %scan3A_98 : i32 to index
      %get3A_751 = arith.constant 416 : index
      %get3A_752 = tpu.vector_load %arg5[%get3A_750, %get3A_751] {strides = array<i32>} : memref<32x512xf32, #tpu.memory_space<vmem>>, vector<1x16xf32>,
      %get3A_753 = vector.shape_cast %get3A_752 : vector<1x16xf32> to vector<16xf32>
      %get3A_754 = arith.index_cast %scan3A_98 : i32 to index
      %get3A_755 = arith.constant 416 : index
      %get3A_756 = tpu.vector_load %arg6[%get3A_754, %get3A_755] {strides = array<i32>} : memref<32x512xf32, #tpu.memory_space<vmem>>, vector<1x16xf32>,
      %get3A_757 = vector.shape_cast %get3A_756 : vector<1x16xf32> to vector<16xf32>
      %neg3A_758 = arith.constant 0.000000e+00 : f32
      %neg3A_759 = vector.broadcast %neg3A_758 : f32 to vector<16xf32>
      %neg3A_760 = arith.subf %neg3A_759, %get3A_753 : vector<16xf32>
      %exp3A_761 = math.exp %neg3A_760 : vector<16xf32>
      %add3A_762 = arith.constant 1.000000e+00 : f32
      %add3A_763 = vector.broadcast %add3A_762 : f32 to vector<16xf32>
      %add3A_764 = arith.addf %add3A_763, %exp3A_761 : vector<16xf32>
      %div3A_765 = arith.constant 1.000000e+00 : f32
      %div3A_766 = vector.broadcast %div3A_765 : f32 to vector<16xf32>
      %div3A_767 = arith.divf %div3A_766, %add3A_764 : vector<16xf32>
      %mul3A_768 = arith.mulf %div3A_767, %div3A_767 : vector<16xf32>
      %add3A_769 = arith.addf %add3A_744, %get3A_757 : vector<16xf32>
      %mul3A_770 = arith.mulf %div3A_767, %get3A_757 : vector<16xf32>
      %add3A_771 = arith.addf %add3A_746, %mul3A_770 : vector<16xf32>
      %add3A_772 = arith.addf %add3A_747, %mul3A_768 : vector<16xf32>
      %mul3A_773 = arith.mulf %mul3A_768, %get3A_757 : vector<16xf32>
      %add3A_774 = arith.addf %add3A_749, %mul3A_773 : vector<16xf32>
      %get3A_775 = arith.index_cast %scan3A_98 : i32 to index
      %get3A_776 = arith.constant 432 : index
      %get3A_777 = tpu.vector_load %arg5[%get3A_775, %get3A_776] {strides = array<i32>} : memref<32x512xf32, #tpu.memory_space<vmem>>, vector<1x16xf32>,
      %get3A_778 = vector.shape_cast %get3A_777 : vector<1x16xf32> to vector<16xf32>
      %get3A_779 = arith.index_cast %scan3A_98 : i32 to index
      %get3A_780 = arith.constant 432 : index
      %get3A_781 = tpu.vector_load %arg6[%get3A_779, %get3A_780] {strides = array<i32>} : memref<32x512xf32, #tpu.memory_space<vmem>>, vector<1x16xf32>,
      %get3A_782 = vector.shape_cast %get3A_781 : vector<1x16xf32> to vector<16xf32>
      %neg3A_783 = arith.constant 0.000000e+00 : f32
      %neg3A_784 = vector.broadcast %neg3A_783 : f32 to vector<16xf32>
      %neg3A_785 = arith.subf %neg3A_784, %get3A_778 : vector<16xf32>
      %exp3A_786 = math.exp %neg3A_785 : vector<16xf32>
      %add3A_787 = arith.constant 1.000000e+00 : f32
      %add3A_788 = vector.broadcast %add3A_787 : f32 to vector<16xf32>
      %add3A_789 = arith.addf %add3A_788, %exp3A_786 : vector<16xf32>
      %div3A_790 = arith.constant 1.000000e+00 : f32
      %div3A_791 = vector.broadcast %div3A_790 : f32 to vector<16xf32>
      %div3A_792 = arith.divf %div3A_791, %add3A_789 : vector<16xf32>
      %mul3A_793 = arith.mulf %div3A_792, %div3A_792 : vector<16xf32>
      %add3A_794 = arith.addf %add3A_769, %get3A_782 : vector<16xf32>
      %mul3A_795 = arith.mulf %div3A_792, %get3A_782 : vector<16xf32>
      %add3A_796 = arith.addf %add3A_771, %mul3A_795 : vector<16xf32>
      %add3A_797 = arith.addf %add3A_772, %mul3A_793 : vector<16xf32>
      %mul3A_798 = arith.mulf %mul3A_793, %get3A_782 : vector<16xf32>
      %add3A_799 = arith.addf %add3A_774, %mul3A_798 : vector<16xf32>
      %get3A_800 = arith.index_cast %scan3A_98 : i32 to index
      %get3A_801 = arith.constant 448 : index
      %get3A_802 = tpu.vector_load %arg5[%get3A_800, %get3A_801] {strides = array<i32>} : memref<32x512xf32, #tpu.memory_space<vmem>>, vector<1x16xf32>,
      %get3A_803 = vector.shape_cast %get3A_802 : vector<1x16xf32> to vector<16xf32>
      %get3A_804 = arith.index_cast %scan3A_98 : i32 to index
      %get3A_805 = arith.constant 448 : index
      %get3A_806 = tpu.vector_load %arg6[%get3A_804, %get3A_805] {strides = array<i32>} : memref<32x512xf32, #tpu.memory_space<vmem>>, vector<1x16xf32>,
      %get3A_807 = vector.shape_cast %get3A_806 : vector<1x16xf32> to vector<16xf32>
      %neg3A_808 = arith.constant 0.000000e+00 : f32
      %neg3A_809 = vector.broadcast %neg3A_808 : f32 to vector<16xf32>
      %neg3A_810 = arith.subf %neg3A_809, %get3A_803 : vector<16xf32>
      %exp3A_811 = math.exp %neg3A_810 : vector<16xf32>
      %add3A_812 = arith.constant 1.000000e+00 : f32
      %add3A_813 = vector.broadcast %add3A_812 : f32 to vector<16xf32>
      %add3A_814 = arith.addf %add3A_813, %exp3A_811 : vector<16xf32>
      %div3A_815 = arith.constant 1.000000e+00 : f32
      %div3A_816 = vector.broadcast %div3A_815 : f32 to vector<16xf32>
      %div3A_817 = arith.divf %div3A_816, %add3A_814 : vector<16xf32>
      %mul3A_818 = arith.mulf %div3A_817, %div3A_817 : vector<16xf32>
      %add3A_819 = arith.addf %add3A_794, %get3A_807 : vector<16xf32>
      %mul3A_820 = arith.mulf %div3A_817, %get3A_807 : vector<16xf32>
      %add3A_821 = arith.addf %add3A_796, %mul3A_820 : vector<16xf32>
      %add3A_822 = arith.addf %add3A_797, %mul3A_818 : vector<16xf32>
      %mul3A_823 = arith.mulf %mul3A_818, %get3A_807 : vector<16xf32>
      %add3A_824 = arith.addf %add3A_799, %mul3A_823 : vector<16xf32>
      %get3A_825 = arith.index_cast %scan3A_98 : i32 to index
      %get3A_826 = arith.constant 464 : index
      %get3A_827 = tpu.vector_load %arg5[%get3A_825, %get3A_826] {strides = array<i32>} : memref<32x512xf32, #tpu.memory_space<vmem>>, vector<1x16xf32>,
      %get3A_828 = vector.shape_cast %get3A_827 : vector<1x16xf32> to vector<16xf32>
      %get3A_829 = arith.index_cast %scan3A_98 : i32 to index
      %get3A_830 = arith.constant 464 : index
      %get3A_831 = tpu.vector_load %arg6[%get3A_829, %get3A_830] {strides = array<i32>} : memref<32x512xf32, #tpu.memory_space<vmem>>, vector<1x16xf32>,
      %get3A_832 = vector.shape_cast %get3A_831 : vector<1x16xf32> to vector<16xf32>
      %neg3A_833 = arith.constant 0.000000e+00 : f32
      %neg3A_834 = vector.broadcast %neg3A_833 : f32 to vector<16xf32>
      %neg3A_835 = arith.subf %neg3A_834, %get3A_828 : vector<16xf32>
      %exp3A_836 = math.exp %neg3A_835 : vector<16xf32>
      %add3A_837 = arith.constant 1.000000e+00 : f32
      %add3A_838 = vector.broadcast %add3A_837 : f32 to vector<16xf32>
      %add3A_839 = arith.addf %add3A_838, %exp3A_836 : vector<16xf32>
      %div3A_840 = arith.constant 1.000000e+00 : f32
      %div3A_841 = vector.broadcast %div3A_840 : f32 to vector<16xf32>
      %div3A_842 = arith.divf %div3A_841, %add3A_839 : vector<16xf32>
      %mul3A_843 = arith.mulf %div3A_842, %div3A_842 : vector<16xf32>
      %add3A_844 = arith.addf %add3A_819, %get3A_832 : vector<16xf32>
      %mul3A_845 = arith.mulf %div3A_842, %get3A_832 : vector<16xf32>
      %add3A_846 = arith.addf %add3A_821, %mul3A_845 : vector<16xf32>
      %add3A_847 = arith.addf %add3A_822, %mul3A_843 : vector<16xf32>
      %mul3A_848 = arith.mulf %mul3A_843, %get3A_832 : vector<16xf32>
      %add3A_849 = arith.addf %add3A_824, %mul3A_848 : vector<16xf32>
      %get3A_850 = arith.index_cast %scan3A_98 : i32 to index
      %get3A_851 = arith.constant 480 : index
      %get3A_852 = tpu.vector_load %arg5[%get3A_850, %get3A_851] {strides = array<i32>} : memref<32x512xf32, #tpu.memory_space<vmem>>, vector<1x16xf32>,
      %get3A_853 = vector.shape_cast %get3A_852 : vector<1x16xf32> to vector<16xf32>
      %get3A_854 = arith.index_cast %scan3A_98 : i32 to index
      %get3A_855 = arith.constant 480 : index
      %get3A_856 = tpu.vector_load %arg6[%get3A_854, %get3A_855] {strides = array<i32>} : memref<32x512xf32, #tpu.memory_space<vmem>>, vector<1x16xf32>,
      %get3A_857 = vector.shape_cast %get3A_856 : vector<1x16xf32> to vector<16xf32>
      %neg3A_858 = arith.constant 0.000000e+00 : f32
      %neg3A_859 = vector.broadcast %neg3A_858 : f32 to vector<16xf32>
      %neg3A_860 = arith.subf %neg3A_859, %get3A_853 : vector<16xf32>
      %exp3A_861 = math.exp %neg3A_860 : vector<16xf32>
      %add3A_862 = arith.constant 1.000000e+00 : f32
      %add3A_863 = vector.broadcast %add3A_862 : f32 to vector<16xf32>
      %add3A_864 = arith.addf %add3A_863, %exp3A_861 : vector<16xf32>
      %div3A_865 = arith.constant 1.000000e+00 : f32
      %div3A_866 = vector.broadcast %div3A_865 : f32 to vector<16xf32>
      %div3A_867 = arith.divf %div3A_866, %add3A_864 : vector<16xf32>
      %mul3A_868 = arith.mulf %div3A_867, %div3A_867 : vector<16xf32>
      %add3A_869 = arith.addf %add3A_844, %get3A_857 : vector<16xf32>
      %mul3A_870 = arith.mulf %div3A_867, %get3A_857 : vector<16xf32>
      %add3A_871 = arith.addf %add3A_846, %mul3A_870 : vector<16xf32>
      %add3A_872 = arith.addf %add3A_847, %mul3A_868 : vector<16xf32>
      %mul3A_873 = arith.mulf %mul3A_868, %get3A_857 : vector<16xf32>
      %add3A_874 = arith.addf %add3A_849, %mul3A_873 : vector<16xf32>
      %get3A_875 = arith.index_cast %scan3A_98 : i32 to index
      %get3A_876 = arith.constant 496 : index
      %get3A_877 = tpu.vector_load %arg5[%get3A_875, %get3A_876] {strides = array<i32>} : memref<32x512xf32, #tpu.memory_space<vmem>>, vector<1x16xf32>,
      %get3A_878 = vector.shape_cast %get3A_877 : vector<1x16xf32> to vector<16xf32>
      %get3A_879 = arith.index_cast %scan3A_98 : i32 to index
      %get3A_880 = arith.constant 496 : index
      %get3A_881 = tpu.vector_load %arg6[%get3A_879, %get3A_880] {strides = array<i32>} : memref<32x512xf32, #tpu.memory_space<vmem>>, vector<1x16xf32>,
      %get3A_882 = vector.shape_cast %get3A_881 : vector<1x16xf32> to vector<16xf32>
      %neg3A_883 = arith.constant 0.000000e+00 : f32
      %neg3A_884 = vector.broadcast %neg3A_883 : f32 to vector<16xf32>
      %neg3A_885 = arith.subf %neg3A_884, %get3A_878 : vector<16xf32>
      %exp3A_886 = math.exp %neg3A_885 : vector<16xf32>
      %add3A_887 = arith.constant 1.000000e+00 : f32
      %add3A_888 = vector.broadcast %add3A_887 : f32 to vector<16xf32>
      %add3A_889 = arith.addf %add3A_888, %exp3A_886 : vector<16xf32>
      %div3A_890 = arith.constant 1.000000e+00 : f32
      %div3A_891 = vector.broadcast %div3A_890 : f32 to vector<16xf32>
      %div3A_892 = arith.divf %div3A_891, %add3A_889 : vector<16xf32>
      %mul3A_893 = arith.mulf %div3A_892, %div3A_892 : vector<16xf32>
      %add3A_894 = arith.addf %add3A_869, %get3A_882 : vector<16xf32>
      %mul3A_895 = arith.mulf %div3A_892, %get3A_882 : vector<16xf32>
      %add3A_896 = arith.addf %add3A_871, %mul3A_895 : vector<16xf32>
      %add3A_897 = arith.addf %add3A_872, %mul3A_893 : vector<16xf32>
      %mul3A_898 = arith.mulf %mul3A_893, %get3A_882 : vector<16xf32>
      %add3A_899 = arith.addf %add3A_874, %mul3A_898 : vector<16xf32>
      scf.yield %add3A_894, %add3A_896, %add3A_897, %add3A_899 : vector<16xf32>, vector<16xf32>, vector<16xf32>, vector<16xf32>
    }
    %scan3A_66 = arith.constant 32 : i32
    %swap3A = arith.constant 0 : index
    %swap3A_67 = tpu.vector_load %arg9[%swap3A] {strides = array<i32>} : memref<128xf32, #tpu.memory_space<vmem>>, vector<16xf32>,
    %swap3A_68 = vector.shape_cast %swap3A_67 : vector<16xf32> to vector<16xf32>
    %swap3A_69 = vector.shape_cast %scan3A_65#0 : vector<16xf32> to vector<16xf32>
    tpu.vector_store %arg9[%swap3A], %swap3A_69 {strides = array<i32>} : memref<128xf32, #tpu.memory_space<vmem>>, vector<16xf32>,
    %swap3A_70 = arith.constant 16 : index
    %swap3A_71 = tpu.vector_load %arg9[%swap3A_70] {strides = array<i32>} : memref<128xf32, #tpu.memory_space<vmem>>, vector<16xf32>,
    %swap3A_72 = vector.shape_cast %swap3A_71 : vector<16xf32> to vector<16xf32>
    %swap3A_73 = vector.shape_cast %scan3A_65#1 : vector<16xf32> to vector<16xf32>
    tpu.vector_store %arg9[%swap3A_70], %swap3A_73 {strides = array<i32>} : memref<128xf32, #tpu.memory_space<vmem>>, vector<16xf32>,
    %swap3A_74 = arith.constant 32 : index
    %swap3A_75 = tpu.vector_load %arg9[%swap3A_74] {strides = array<i32>} : memref<128xf32, #tpu.memory_space<vmem>>, vector<16xf32>,
    %swap3A_76 = vector.shape_cast %swap3A_75 : vector<16xf32> to vector<16xf32>
    %swap3A_77 = vector.shape_cast %scan3A_65#2 : vector<16xf32> to vector<16xf32>
    tpu.vector_store %arg9[%swap3A_74], %swap3A_77 {strides = array<i32>} : memref<128xf32, #tpu.memory_space<vmem>>, vector<16xf32>,
    %swap3A_78 = arith.constant 48 : index
    %swap3A_79 = tpu.vector_load %arg9[%swap3A_78] {strides = array<i32>} : memref<128xf32, #tpu.memory_space<vmem>>, vector<16xf32>,
    %swap3A_80 = vector.shape_cast %swap3A_79 : vector<16xf32> to vector<16xf32>
    %swap3A_81 = vector.shape_cast %scan3A_65#3 : vector<16xf32> to vector<16xf32>
    tpu.vector_store %arg9[%swap3A_78], %swap3A_81 {strides = array<i32>} : memref<128xf32, #tpu.memory_space<vmem>>, vector<16xf32>,
    %swap3A_82 = arith.constant 64 : index
    %swap3A_83 = tpu.vector_load %arg9[%swap3A_82] {strides = array<i32>} : memref<128xf32, #tpu.memory_space<vmem>>, vector<16xf32>,
    %swap3A_84 = vector.shape_cast %swap3A_83 : vector<16xf32> to vector<16xf32>
    %swap3A_85 = vector.shape_cast %broadcast_in_dim3A_35 : vector<16xf32> to vector<16xf32>
    tpu.vector_store %arg9[%swap3A_82], %swap3A_85 {strides = array<i32>} : memref<128xf32, #tpu.memory_space<vmem>>, vector<16xf32>,
    %swap3A_86 = arith.constant 80 : index
    %swap3A_87 = tpu.vector_load %arg9[%swap3A_86] {strides = array<i32>} : memref<128xf32, #tpu.memory_space<vmem>>, vector<16xf32>,
    %swap3A_88 = vector.shape_cast %swap3A_87 : vector<16xf32> to vector<16xf32>
    %swap3A_89 = vector.shape_cast %broadcast_in_dim3A_35 : vector<16xf32> to vector<16xf32>
    tpu.vector_store %arg9[%swap3A_86], %swap3A_89 {strides = array<i32>} : memref<128xf32, #tpu.memory_space<vmem>>, vector<16xf32>,
    %swap3A_90 = arith.constant 96 : index
    %swap3A_91 = tpu.vector_load %arg9[%swap3A_90] {strides = array<i32>} : memref<128xf32, #tpu.memory_space<vmem>>, vector<16xf32>,
    %swap3A_92 = vector.shape_cast %swap3A_91 : vector<16xf32> to vector<16xf32>
    %swap3A_93 = vector.shape_cast %broadcast_in_dim3A_35 : vector<16xf32> to vector<16xf32>
    tpu.vector_store %arg9[%swap3A_90], %swap3A_93 {strides = array<i32>} : memref<128xf32, #tpu.memory_space<vmem>>, vector<16xf32>,
    %swap3A_94 = arith.constant 112 : index
    %swap3A_95 = tpu.vector_load %arg9[%swap3A_94] {strides = array<i32>} : memref<128xf32, #tpu.memory_space<vmem>>, vector<16xf32>,
    %swap3A_96 = vector.shape_cast %swap3A_95 : vector<16xf32> to vector<16xf32>
    %swap3A_97 = vector.shape_cast %broadcast_in_dim3A_35 : vector<16xf32> to vector<16xf32>
    tpu.vector_store %arg9[%swap3A_94], %swap3A_97 {strides = array<i32>} : memref<128xf32, #tpu.memory_space<vmem>>, vector<16xf32>,
    "tpu.region"() ({
      %run_scoped3A = tpu.sem_alloc : memref<!tpu.dma_semaphore, #tpu.memory_space<semaphore_mem>>
      %dma_start3A_98 = arith.constant 0 : i32
      %dma_start3A_99 = tpu.memref_slice %arg4[%add3A, %dma_start3A_98] : memref<32x128xf32, #tpu.memory_space<hbm>> -> memref<1x128xf32, #tpu.memory_space<hbm>>
      %dma_start3A_100 = tpu.memref_squeeze %dma_start3A_99 : memref<1x128xf32, #tpu.memory_space<hbm>> -> memref<128xf32, #tpu.memory_space<hbm>>
      %dma_start3A_101 = arith.constant 0 : i32
      %dma_start3A_102 = tpu.memref_slice %arg4[%add3A, %dma_start3A_101] : memref<32x128xf32, #tpu.memory_space<hbm>> -> memref<1x128xf32, #tpu.memory_space<hbm>>
      %dma_start3A_103 = tpu.memref_squeeze %dma_start3A_102 : memref<1x128xf32, #tpu.memory_space<hbm>> -> memref<128xf32, #tpu.memory_space<hbm>>
      tpu.enqueue_dma source(%arg9 : memref<128xf32, #tpu.memory_space<vmem>>) target(%dma_start3A_103 : memref<128xf32, #tpu.memory_space<hbm>>) target_semaphore(%run_scoped3A : memref<!tpu.dma_semaphore, #tpu.memory_space<semaphore_mem>>)
      %dma_wait3A_104 = arith.constant 0 : i32
      %dma_wait3A_105 = tpu.memref_slice %arg4[%add3A, %dma_wait3A_104] : memref<32x128xf32, #tpu.memory_space<hbm>> -> memref<1x128xf32, #tpu.memory_space<hbm>>
      %dma_wait3A_106 = tpu.memref_squeeze %dma_wait3A_105 : memref<1x128xf32, #tpu.memory_space<hbm>> -> memref<128xf32, #tpu.memory_space<hbm>>
      %dma_wait3A_107 = arith.constant 0 : i32
      %dma_wait3A_108 = tpu.memref_slice %arg4[%add3A, %dma_wait3A_107] : memref<32x128xf32, #tpu.memory_space<hbm>> -> memref<1x128xf32, #tpu.memory_space<hbm>>
      %dma_wait3A_109 = tpu.memref_squeeze %dma_wait3A_108 : memref<1x128xf32, #tpu.memory_space<hbm>> -> memref<128xf32, #tpu.memory_space<hbm>>
      tpu.wait_dma2 semaphore(%run_scoped3A : memref<!tpu.dma_semaphore, #tpu.memory_space<semaphore_mem>>) src(%arg9 : memref<128xf32, #tpu.memory_space<vmem>>) dst(%dma_wait3A_109 : memref<128xf32, #tpu.memory_space<hbm>>)
      tpu.yield
    }) : () -> ()
    return
  }
}

module attributes {stable_mosaic.version = 14 : i64} {
  func.func @_tc_body(%arg0: i32, %arg1: memref<2x512x512xf32, #tpu.memory_space<vmem>>, %arg2: memref<2x512x512xf32, #tpu.memory_space<vmem>>, %arg3: memref<4x512xf32, #tpu.memory_space<vmem>>) attributes {dimension_semantics = [#tpu.dimension_semantics<arbitrary>], iteration_bounds = array<i64: 7>, scalar_prefetch = 0 : i64, scratch_operands = 0 : i64, tpu.core_type = #tpu.core_type<tc>, window_params = [{transform_indices = @transform_0, window_bounds = array<i64: 2, 512, 512>}, {transform_indices = @transform_1, window_bounds = array<i64: 2, 512, 512>}, {pipeline_mode = #tpu.pipeline_mode<synchronous>, transform_indices = @transform_2, window_bounds = array<i64: 4, 512>}]} {
    %eq3A = arith.constant 0 : i32
    %eq3A_0 = arith.cmpi eq, %arg0, %eq3A : i32
    %convert_element_type3A = arith.extui %eq3A_0 : i1 to i32
    %cond3A = arith.constant 0 : i32
    %cond3A_1 = arith.cmpi ne, %convert_element_type3A, %cond3A : i32
    scf.if %cond3A_1 {
      %broadcast_in_dim3A_56 = arith.constant 0.000000e+00 : f32
      %broadcast_in_dim3A_57 = vector.broadcast %broadcast_in_dim3A_56 : f32 to vector<4x512xf32>
      %swap3A_58 = arith.constant 0 : index
      %swap3A_59 = arith.constant 0 : index
      %swap3A_60 = vector.load %arg3[%swap3A_58, %swap3A_59] : memref<4x512xf32, #tpu.memory_space<vmem>>, vector<4x512xf32>
      tpu.vector_store %arg3[%swap3A_58, %swap3A_59], %broadcast_in_dim3A_57 {strides = array<i32>} : memref<4x512xf32, #tpu.memory_space<vmem>>, vector<4x512xf32>,
    } else {
    }
    %get3A = arith.constant 0 : index
    %get3A_2 = arith.constant 0 : index
    %get3A_3 = arith.constant 0 : index
    %get3A_4 = vector.load %arg1[%get3A, %get3A_2, %get3A_3] : memref<2x512x512xf32, #tpu.memory_space<vmem>>, vector<2x512x512xf32>
    %get3A_5 = arith.constant 0 : index
    %get3A_6 = arith.constant 0 : index
    %get3A_7 = arith.constant 0 : index
    %get3A_8 = vector.load %arg2[%get3A_5, %get3A_6, %get3A_7] : memref<2x512x512xf32, #tpu.memory_space<vmem>>, vector<2x512x512xf32>
    %mul3A = arith.constant 5.000000e-01 : f32
    %mul3A_9 = vector.broadcast %mul3A : f32 to vector<2x512x512xf32>
    %mul3A_10 = arith.mulf %mul3A_9, %get3A_4 : vector<2x512x512xf32>
    %tanh3A = math.tanh %mul3A_10 : vector<2x512x512xf32>
    %mul3A_11 = arith.constant 5.000000e-01 : f32
    %mul3A_12 = vector.broadcast %mul3A_11 : f32 to vector<2x512x512xf32>
    %mul3A_13 = arith.mulf %mul3A_12, %tanh3A : vector<2x512x512xf32>
    %add3A = arith.constant 5.000000e-01 : f32
    %add3A_14 = vector.broadcast %add3A : f32 to vector<2x512x512xf32>
    %add3A_15 = arith.addf %mul3A_13, %add3A_14 : vector<2x512x512xf32>
    %mul3A_16 = arith.mulf %add3A_15, %add3A_15 : vector<2x512x512xf32>
    %get3A_17 = arith.constant 0 : index
    %get3A_18 = arith.constant 0 : index
    %get3A_19 = vector.load %arg3[%get3A_17, %get3A_18] : memref<4x512xf32, #tpu.memory_space<vmem>>, vector<1x512xf32>
    %reduce_sum3A = arith.constant dense<0.000000e+00> : vector<512xf32>
    %reduce_sum3A_20 = vector.multi_reduction <add>, %get3A_8, %reduce_sum3A [0, 1] : vector<2x512x512xf32> to vector<512xf32>
    %broadcast_in_dim3A = vector.shape_cast %reduce_sum3A_20 : vector<512xf32> to vector<1x512xf32>
    %add3A_21 = arith.addf %get3A_19, %broadcast_in_dim3A : vector<1x512xf32>
    %swap3A = arith.constant 0 : index
    %swap3A_22 = arith.constant 0 : index
    %swap3A_23 = vector.load %arg3[%swap3A, %swap3A_22] : memref<4x512xf32, #tpu.memory_space<vmem>>, vector<1x512xf32>
    tpu.vector_store %arg3[%swap3A, %swap3A_22], %add3A_21 {strides = array<i32>} : memref<4x512xf32, #tpu.memory_space<vmem>>, vector<1x512xf32>,
    %get3A_24 = arith.constant 1 : index
    %get3A_25 = arith.constant 0 : index
    %get3A_26 = vector.load %arg3[%get3A_24, %get3A_25] : memref<4x512xf32, #tpu.memory_space<vmem>>, vector<1x512xf32>
    %mul3A_27 = arith.mulf %add3A_15, %get3A_8 : vector<2x512x512xf32>
    %reduce_sum3A_28 = arith.constant dense<0.000000e+00> : vector<512xf32>
    %reduce_sum3A_29 = vector.multi_reduction <add>, %mul3A_27, %reduce_sum3A_28 [0, 1] : vector<2x512x512xf32> to vector<512xf32>
    %broadcast_in_dim3A_30 = vector.shape_cast %reduce_sum3A_29 : vector<512xf32> to vector<1x512xf32>
    %add3A_31 = arith.addf %get3A_26, %broadcast_in_dim3A_30 : vector<1x512xf32>
    %swap3A_32 = arith.constant 1 : index
    %swap3A_33 = arith.constant 0 : index
    %swap3A_34 = vector.load %arg3[%swap3A_32, %swap3A_33] : memref<4x512xf32, #tpu.memory_space<vmem>>, vector<1x512xf32>
    tpu.vector_store %arg3[%swap3A_32, %swap3A_33], %add3A_31 {strides = array<i32>} : memref<4x512xf32, #tpu.memory_space<vmem>>, vector<1x512xf32>,
    %get3A_35 = arith.constant 2 : index
    %get3A_36 = arith.constant 0 : index
    %get3A_37 = vector.load %arg3[%get3A_35, %get3A_36] : memref<4x512xf32, #tpu.memory_space<vmem>>, vector<1x512xf32>
    %reduce_sum3A_38 = arith.constant dense<0.000000e+00> : vector<512xf32>
    %reduce_sum3A_39 = vector.multi_reduction <add>, %mul3A_16, %reduce_sum3A_38 [0, 1] : vector<2x512x512xf32> to vector<512xf32>
    %broadcast_in_dim3A_40 = vector.shape_cast %reduce_sum3A_39 : vector<512xf32> to vector<1x512xf32>
    %add3A_41 = arith.addf %get3A_37, %broadcast_in_dim3A_40 : vector<1x512xf32>
    %swap3A_42 = arith.constant 2 : index
    %swap3A_43 = arith.constant 0 : index
    %swap3A_44 = vector.load %arg3[%swap3A_42, %swap3A_43] : memref<4x512xf32, #tpu.memory_space<vmem>>, vector<1x512xf32>
    tpu.vector_store %arg3[%swap3A_42, %swap3A_43], %add3A_41 {strides = array<i32>} : memref<4x512xf32, #tpu.memory_space<vmem>>, vector<1x512xf32>,
    %get3A_45 = arith.constant 3 : index
    %get3A_46 = arith.constant 0 : index
    %get3A_47 = vector.load %arg3[%get3A_45, %get3A_46] : memref<4x512xf32, #tpu.memory_space<vmem>>, vector<1x512xf32>
    %mul3A_48 = arith.mulf %mul3A_16, %get3A_8 : vector<2x512x512xf32>
    %reduce_sum3A_49 = arith.constant dense<0.000000e+00> : vector<512xf32>
    %reduce_sum3A_50 = vector.multi_reduction <add>, %mul3A_48, %reduce_sum3A_49 [0, 1] : vector<2x512x512xf32> to vector<512xf32>
    %broadcast_in_dim3A_51 = vector.shape_cast %reduce_sum3A_50 : vector<512xf32> to vector<1x512xf32>
    %add3A_52 = arith.addf %get3A_47, %broadcast_in_dim3A_51 : vector<1x512xf32>
    %swap3A_53 = arith.constant 3 : index
    %swap3A_54 = arith.constant 0 : index
    %swap3A_55 = vector.load %arg3[%swap3A_53, %swap3A_54] : memref<4x512xf32, #tpu.memory_space<vmem>>, vector<1x512xf32>
    tpu.vector_store %arg3[%swap3A_53, %swap3A_54], %add3A_52 {strides = array<i32>} : memref<4x512xf32, #tpu.memory_space<vmem>>, vector<1x512xf32>,
    return
  }
  func.func @transform_0(%arg0: i32) -> (i32, i32, i32) {
    %c0_i32 = arith.constant 0 : i32
    %c0_i32_0 = arith.constant 0 : i32
    %c0_i32_1 = arith.constant 0 : i32
    return %arg0, %c0_i32, %c0_i32_0 : i32, i32, i32
  }
  func.func @transform_1(%arg0: i32) -> (i32, i32, i32) {
    %c0_i32 = arith.constant 0 : i32
    %c0_i32_0 = arith.constant 0 : i32
    %c0_i32_1 = arith.constant 0 : i32
    return %arg0, %c0_i32, %c0_i32_0 : i32, i32, i32
  }
  func.func @transform_2(%arg0: i32) -> (i32, i32) {
    %c0_i32 = arith.constant 0 : i32
    %c0_i32_0 = arith.constant 0 : i32
    %c0_i32_1 = arith.constant 0 : i32
    return %c0_i32, %c0_i32_0 : i32, i32
  }
}

module attributes {stable_mosaic.version = 14 : i64} {
  func.func @_fin_body(%arg0: memref<4x512xf32, #tpu.memory_space<vmem>>, %arg1: memref<32x128xf32, #tpu.memory_space<vmem>>, %arg2: memref<1xf32, #tpu.memory_space<smem>>) attributes {dimension_semantics = [], scalar_prefetch = 0 : i64, scratch_operands = 0 : i64, tpu.core_type = #tpu.core_type<tc>} {
    %get3A = arith.constant 0 : index
    %get3A_0 = arith.constant 0 : index
    %get3A_1 = vector.load %arg1[%get3A, %get3A_0] : memref<32x128xf32, #tpu.memory_space<vmem>>, vector<32x128xf32>
    %get3A_2 = arith.constant 0 : index
    %get3A_3 = arith.constant 0 : index
    %get3A_4 = vector.load %arg0[%get3A_2, %get3A_3] : memref<4x512xf32, #tpu.memory_space<vmem>>, vector<4x512xf32>
    %slice3A = vector.extract_strided_slice %get3A_1 {offsets = [0, 0], sizes = [32, 16], strides = [1, 1]} : vector<32x128xf32> to vector<32x16xf32>
    %reduce_sum3A = vector.shape_cast %slice3A : vector<32x16xf32> to vector<1x32x16xf32>
    %reduce_sum3A_5 = arith.constant dense<0.000000e+00> : vector<1xf32>
    %reduce_sum3A_6 = vector.multi_reduction <add>, %reduce_sum3A, %reduce_sum3A_5 [1, 2] : vector<1x32x16xf32> to vector<1xf32>
    %reduce_sum3A_7 = vector.shape_cast %reduce_sum3A_6 : vector<1xf32> to vector<1x1x1xf32>
    %reduce_sum3A_8 = vector.extract %reduce_sum3A_7[0, 0, 0] : f32 from vector<1x1x1xf32>
    %slice3A_9 = vector.extract_strided_slice %get3A_4 {offsets = [0, 0], sizes = [1, 512], strides = [1, 1]} : vector<4x512xf32> to vector<1x512xf32>
    %squeeze3A = vector.shape_cast %slice3A_9 : vector<1x512xf32> to vector<512xf32>
    %reduce_sum3A_10 = vector.shape_cast %squeeze3A : vector<512xf32> to vector<1x512xf32>
    %reduce_sum3A_11 = arith.constant dense<0.000000e+00> : vector<1xf32>
    %reduce_sum3A_12 = vector.multi_reduction <add>, %reduce_sum3A_10, %reduce_sum3A_11 [1] : vector<1x512xf32> to vector<1xf32>
    %reduce_sum3A_13 = vector.shape_cast %reduce_sum3A_12 : vector<1xf32> to vector<1x1xf32>
    %reduce_sum3A_14 = vector.extract %reduce_sum3A_13[0, 0] : f32 from vector<1x1xf32>
    %add3A = arith.addf %reduce_sum3A_8, %reduce_sum3A_14 : f32
    %slice3A_15 = vector.extract_strided_slice %get3A_1 {offsets = [0, 16], sizes = [32, 16], strides = [1, 1]} : vector<32x128xf32> to vector<32x16xf32>
    %reduce_sum3A_16 = vector.shape_cast %slice3A_15 : vector<32x16xf32> to vector<1x32x16xf32>
    %reduce_sum3A_17 = arith.constant dense<0.000000e+00> : vector<1xf32>
    %reduce_sum3A_18 = vector.multi_reduction <add>, %reduce_sum3A_16, %reduce_sum3A_17 [1, 2] : vector<1x32x16xf32> to vector<1xf32>
    %reduce_sum3A_19 = vector.shape_cast %reduce_sum3A_18 : vector<1xf32> to vector<1x1x1xf32>
    %reduce_sum3A_20 = vector.extract %reduce_sum3A_19[0, 0, 0] : f32 from vector<1x1x1xf32>
    %slice3A_21 = vector.extract_strided_slice %get3A_4 {offsets = [1, 0], sizes = [1, 512], strides = [1, 1]} : vector<4x512xf32> to vector<1x512xf32>
    %squeeze3A_22 = vector.shape_cast %slice3A_21 : vector<1x512xf32> to vector<512xf32>
    %reduce_sum3A_23 = vector.shape_cast %squeeze3A_22 : vector<512xf32> to vector<1x512xf32>
    %reduce_sum3A_24 = arith.constant dense<0.000000e+00> : vector<1xf32>
    %reduce_sum3A_25 = vector.multi_reduction <add>, %reduce_sum3A_23, %reduce_sum3A_24 [1] : vector<1x512xf32> to vector<1xf32>
    %reduce_sum3A_26 = vector.shape_cast %reduce_sum3A_25 : vector<1xf32> to vector<1x1xf32>
    %reduce_sum3A_27 = vector.extract %reduce_sum3A_26[0, 0] : f32 from vector<1x1xf32>
    %add3A_28 = arith.addf %reduce_sum3A_20, %reduce_sum3A_27 : f32
    %slice3A_29 = vector.extract_strided_slice %get3A_1 {offsets = [0, 32], sizes = [32, 16], strides = [1, 1]} : vector<32x128xf32> to vector<32x16xf32>
    %reduce_sum3A_30 = vector.shape_cast %slice3A_29 : vector<32x16xf32> to vector<1x32x16xf32>
    %reduce_sum3A_31 = arith.constant dense<0.000000e+00> : vector<1xf32>
    %reduce_sum3A_32 = vector.multi_reduction <add>, %reduce_sum3A_30, %reduce_sum3A_31 [1, 2] : vector<1x32x16xf32> to vector<1xf32>
    %reduce_sum3A_33 = vector.shape_cast %reduce_sum3A_32 : vector<1xf32> to vector<1x1x1xf32>
    %reduce_sum3A_34 = vector.extract %reduce_sum3A_33[0, 0, 0] : f32 from vector<1x1x1xf32>
    %slice3A_35 = vector.extract_strided_slice %get3A_4 {offsets = [2, 0], sizes = [1, 512], strides = [1, 1]} : vector<4x512xf32> to vector<1x512xf32>
    %squeeze3A_36 = vector.shape_cast %slice3A_35 : vector<1x512xf32> to vector<512xf32>
    %reduce_sum3A_37 = vector.shape_cast %squeeze3A_36 : vector<512xf32> to vector<1x512xf32>
    %reduce_sum3A_38 = arith.constant dense<0.000000e+00> : vector<1xf32>
    %reduce_sum3A_39 = vector.multi_reduction <add>, %reduce_sum3A_37, %reduce_sum3A_38 [1] : vector<1x512xf32> to vector<1xf32>
    %reduce_sum3A_40 = vector.shape_cast %reduce_sum3A_39 : vector<1xf32> to vector<1x1xf32>
    %reduce_sum3A_41 = vector.extract %reduce_sum3A_40[0, 0] : f32 from vector<1x1xf32>
    %add3A_42 = arith.addf %reduce_sum3A_34, %reduce_sum3A_41 : f32
    %slice3A_43 = vector.extract_strided_slice %get3A_1 {offsets = [0, 48], sizes = [32, 16], strides = [1, 1]} : vector<32x128xf32> to vector<32x16xf32>
    %reduce_sum3A_44 = vector.shape_cast %slice3A_43 : vector<32x16xf32> to vector<1x32x16xf32>
    %reduce_sum3A_45 = arith.constant dense<0.000000e+00> : vector<1xf32>
    %reduce_sum3A_46 = vector.multi_reduction <add>, %reduce_sum3A_44, %reduce_sum3A_45 [1, 2] : vector<1x32x16xf32> to vector<1xf32>
    %reduce_sum3A_47 = vector.shape_cast %reduce_sum3A_46 : vector<1xf32> to vector<1x1x1xf32>
    %reduce_sum3A_48 = vector.extract %reduce_sum3A_47[0, 0, 0] : f32 from vector<1x1x1xf32>
    %slice3A_49 = vector.extract_strided_slice %get3A_4 {offsets = [3, 0], sizes = [1, 512], strides = [1, 1]} : vector<4x512xf32> to vector<1x512xf32>
    %squeeze3A_50 = vector.shape_cast %slice3A_49 : vector<1x512xf32> to vector<512xf32>
    %reduce_sum3A_51 = vector.shape_cast %squeeze3A_50 : vector<512xf32> to vector<1x512xf32>
    %reduce_sum3A_52 = arith.constant dense<0.000000e+00> : vector<1xf32>
    %reduce_sum3A_53 = vector.multi_reduction <add>, %reduce_sum3A_51, %reduce_sum3A_52 [1] : vector<1x512xf32> to vector<1xf32>
    %reduce_sum3A_54 = vector.shape_cast %reduce_sum3A_53 : vector<1xf32> to vector<1x1xf32>
    %reduce_sum3A_55 = vector.extract %reduce_sum3A_54[0, 0] : f32 from vector<1x1xf32>
    %add3A_56 = arith.addf %reduce_sum3A_48, %reduce_sum3A_55 : f32
    %add3A_57 = arith.constant 9.99999974E-6 : f32
    %add3A_58 = arith.addf %add3A, %add3A_57 : f32
    %sub3A = arith.constant 0x4A800000 : f32
    %sub3A_59 = arith.subf %sub3A, %add3A : f32
    %add3A_60 = arith.constant 9.99999974E-6 : f32
    %add3A_61 = arith.addf %sub3A_59, %add3A_60 : f32
    %mul3A = arith.mulf %add3A_58, %add3A_58 : f32
    %div3A = arith.constant 1.000000e+00 : f32
    %div3A_62 = arith.divf %div3A, %mul3A : f32
    %mul3A_63 = arith.mulf %add3A_61, %add3A_61 : f32
    %div3A_64 = arith.constant 1.000000e+00 : f32
    %div3A_65 = arith.divf %div3A_64, %mul3A_63 : f32
    %mul3A_66 = arith.mulf %div3A_62, %add3A_28 : f32
    %add3A_67 = arith.addf %add3A_56, %add3A : f32
    %mul3A_68 = arith.mulf %div3A_62, %add3A_67 : f32
    %sub3A_69 = arith.subf %add3A_42, %add3A_56 : f32
    %mul3A_70 = arith.mulf %div3A_65, %sub3A_69 : f32
    %add3A_71 = arith.addf %mul3A_68, %mul3A_70 : f32
    %mul3A_72 = arith.constant 2.000000e+00 : f32
    %mul3A_73 = arith.mulf %mul3A_72, %mul3A_66 : f32
    %add3A_74 = arith.constant 9.99999974E-6 : f32
    %add3A_75 = arith.addf %mul3A_73, %add3A_74 : f32
    %add3A_76 = arith.constant 9.99999974E-6 : f32
    %add3A_77 = arith.addf %add3A_71, %add3A_76 : f32
    %div3A_78 = arith.divf %add3A_75, %add3A_77 : f32
    %sub3A_79 = arith.constant 1.000000e+00 : f32
    %sub3A_80 = arith.subf %sub3A_79, %div3A_78 : f32
    %swap3A = arith.constant 0 : index
    %swap3A_81 = memref.load %arg2[%swap3A] : memref<1xf32, #tpu.memory_space<smem>>
    memref.store %sub3A_80, %arg2[%swap3A] : memref<1xf32, #tpu.memory_space<smem>>
    return
  }
}

</mosaic_0001>

<sc_bundles>
// kernel: kernel.5.cloned.1.call-start
scs
__scs_entry_jumppad:
0x0: {  	(pc) =	sbr.rel $0x88, $3  }
0x1: {  	(tag) =	ssettag $0x0;
	lr =	simm.s32 $0x1  }
0x2: {  	[smem:$0x3F9F] =	sst lr;
	_ =	strace $0xD0000000  }
0x3: {  	_ = 	snop  }
0x4: {  	_ = 	snop  }
0x5: {  	_ = 	snop  }
0x6: {  	_ = 	snop  }
0x7: {  	_ = 	snop  }
__scs_overlays_trampoline_lowered:
0x8: {  	[smem:$0x3FAE] =	sst s0  }
0x9: {  	[smem:$0x3FAF] =	sst s1  }
0xa: {  	[smem:$0x3FB0] =	sst s2  }
0xb: {  	[smem:$0x3FB1] =	sst s3  }
0xc: {  	[smem:$0x3FB2] =	sst s4  }
0xd: {  	[smem:$0x3FB3] =	sst s5  }
0xe: {  	[smem:$0x3FB4] =	sst s6  }
0xf: {  	[smem:$0x3FB5] =	sst s7  }
0x10: {  	[smem:$0x3FB6] =	sst s8  }
0x11: {  	[smem:$0x3FB7] =	sst s9;
	s0 =	simm.s32 @!p0 $0x0  }
0x12: {  	s1 =	sld [smem:$0x3F9D];
	s0 =	simm.s32 @p0 $0x1  }
0x13: {  	[smem:$0x3FB8] =	sst s0;
	s0 =	simm.s32 @!p1 $0x0  }
0x14: {  	s2 =	sld [smem:$0x3F9C];
	s0 =	simm.s32 @p1 $0x1  }
0x15: {  	[smem:$0x3FB9] =	sst s0;
	s0 =	simm.s32 @!p2 $0x0  }
0x16: {  	s3 =	sld [smem:$0x3FDB];
	s0 =	simm.s32 @p2 $0x1  }
0x17: {  	s4 =	simm.s32 $0x1BF5;
	[smem:$0x3FBB] =	sst s0  }
0x18: {  	s0 =	sld [smem:$0x3F9E];
	_ =	swait.ge [sflag:s4], $0x0  }
0x19: {  	s7 =	sld [smem:$0x3F9F]  }
0x1a: {  	s8 =	sadd.s32 $0xFFFFE003, lr  }
0x1b: {  	s9 =	sadd.s32 $0xFFFFFEF7, lr;
	s5 =	simm.s32 $0xFFFFFFFF;
	p2 =	slt.u32 s8, $0xFFFFF086  }
0x1c: {  	p1 =	slt.u32 s9, $0xF7A;
	s5 =	simm.s32 @!p2 $0x0  }
0x1d: {  	s5 =	simm.s32 @p1 $0x1;
	p0 =	seq.s32 s7, s2  }
0x1e: {  	s7 =	smul.u32 @!p0 $0xF7A, s2;
	p2 =	seq.s32 @!p0 s5, $0x0  }
0x1f: {  	s9 =	smul.u32 $0xF7A, s1;
	s8 =	simm.s32 @!p0 $0x1BF5;
	p2 =	por !p2, p0  }
0x20: {  	[sflag:s8] =	ssyncset.s32 @!p0 $0xFFFFF086;
	s6 =	sadd.s32 @!p0 s3, s7;
	s7 =	simm.s32 @!p0 $0x108  }
0x21: {  	s3 =	sadd.s32 s3, s9;
	s6 =	sadd.s32 @!p0 $0x88, s6;
	s7 =	simm.s32 @p2 $0x1082  }
0x22: {  	[simem:s7], [sflag:s8] =	dma.local @!p0 [hbm:s6], $0xF7A  }
0x23: {  	s9 =	sor.u32 $0xD0000000, s2;
	s6 =	simm.s32 $0x108;
	_ =	swait.ge @!p0 [sflag:s8], $0x0  }
0x24: {  	s3 =	sadd.s32 $0x88, s3;
	s6 =	simm.s32 @!p1 $0x1082;
	[sflag:s4] =	ssyncset.s32 $0xFFFFF086  }
0x25: {  	[simem:s6], [sflag:s4] =	dma.local [hbm:s3], $0xF7A  }
0x26: {  	[smem:$0x3F9F] =	sst s1;
	(tag) =	ssettag s2;
	_ =	strace s9  }
0x27: {  	s1 =	sld [smem:$0x3FAF]  }
0x28: {  	s2 =	sld [smem:$0x3FB0]  }
0x29: {  	s4 =	sld [smem:$0x3FB2]  }
0x2a: {  	p0 =	seq.s32 s5, $0x0;
	s5 =	sld [smem:$0x3FB3]  }
0x2b: {  	s6 =	sld [smem:$0x3FB4]  }
0x2c: {  	s7 =	sld [smem:$0x3FB5]  }
0x2d: {  	s3 =	simm.s32 $0x108;
	s8 =	sld [smem:$0x3FB6]  }
0x2e: {  	s3 =	simm.s32 @!p0 $0x1082;
	s9 =	sld [smem:$0x3FB7]  }
0x2f: {  	lr =	sadd.s32 s0, s3;
	s0 =	sld [smem:$0x3FAE]  }
0x30: {  	s3 =	sld [smem:$0x3FB1]  }
0x31: {  	[smem:$0x3FBA] =	sst s10  }
0x32: {  	s10 =	sld [smem:$0x3FB8];
	_ =	sdelay $0x3  }
0x33: {  	p0 =	seq.s32 s10, $0x1;
	s10 =	sld [smem:$0x3FBA];
	_ =	sdelay $0x3  }
0x34: {  	[smem:$0x3FBA] =	sst s10  }
0x35: {  	s10 =	sld [smem:$0x3FB9];
	_ =	sdelay $0x3  }
0x36: {  	p1 =	seq.s32 s10, $0x1;
	s10 =	sld [smem:$0x3FBA];
	_ =	sdelay $0x3  }
0x37: {  	[smem:$0x3FBA] =	sst s10  }
0x38: {  	s10 =	sld [smem:$0x3FBB]  }
0x39: {  	_ = 	snop;
	(pc) =	sbr.ind lr, $3  }
0x3a: {  	_ = 	snop  }
0x3b: {  	_ = 	snop  }
0x3c: {  	p2 =	seq.s32 s10, $0x1;
	s10 =	sld [smem:$0x3FBA]  }
0x3d: {  	_ =	shalt  }
0x3e: {  	_ =	shalt  }
0x3f: {  	_ =	shalt  }
0x40: {  	_ =	shalt  }
0x41: {  	_ =	shalt  }
0x42: {  	_ =	shalt  }
0x43: {  	_ =	shalt  }
0x44: {  	_ =	shalt  }
0x45: {  	_ =	shalt  }
0x46: {  	_ =	shalt  }
0x47: {  	_ =	shalt  }
0x48: {  	_ =	shalt  }
0x49: {  	_ =	shalt  }
0x4a: {  	_ =	shalt  }
0x4b: {  	_ =	shalt  }
0x4c: {  	_ =	shalt  }
0x4d: {  	_ =	shalt  }
0x4e: {  	_ =	shalt  }
0x4f: {  	_ =	shalt  }
0x50: {  	_ =	shalt  }
0x51: {  	_ =	shalt  }
0x52: {  	_ =	shalt  }
0x53: {  	_ =	shalt  }
0x54: {  	_ =	shalt  }
0x55: {  	_ =	shalt  }
0x56: {  	_ =	shalt  }
0x57: {  	_ =	shalt  }
0x58: {  	_ =	shalt  }
0x59: {  	_ =	shalt  }
0x5a: {  	_ =	shalt  }
0x5b: {  	_ =	shalt  }
0x5c: {  	_ =	shalt  }
0x5d: {  	_ =	shalt  }
0x5e: {  	_ =	shalt  }
0x5f: {  	_ =	shalt  }
0x60: {  	_ =	shalt  }
0x61: {  	_ =	shalt  }
0x62: {  	_ =	shalt  }
0x63: {  	_ =	shalt  }
0x64: {  	_ =	shalt  }
0x65: {  	_ =	shalt  }
0x66: {  	_ =	shalt  }
0x67: {  	_ =	shalt  }
0x68: {  	_ =	shalt  }
0x69: {  	_ =	shalt  }
0x6a: {  	_ =	shalt  }
0x6b: {  	_ =	shalt  }
0x6c: {  	_ =	shalt  }
0x6d: {  	_ =	shalt  }
0x6e: {  	_ =	shalt  }
0x6f: {  	_ =	shalt  }
0x70: {  	_ =	shalt  }
0x71: {  	_ =	shalt  }
0x72: {  	_ =	shalt  }
0x73: {  	_ =	shalt  }
0x74: {  	_ =	shalt  }
0x75: {  	_ =	shalt  }
0x76: {  	_ =	shalt  }
0x77: {  	_ =	shalt  }
0x78: {  	_ =	shalt  }
0x79: {  	_ =	shalt  }
0x7a: {  	_ =	shalt  }
0x7b: {  	_ =	shalt  }
0x7c: {  	_ =	shalt  }
0x7d: {  	_ =	shalt  }
0x7e: {  	_ =	shalt  }
0x7f: {  	_ =	shalt  }
0x80: {  	_ =	shalt  }
0x81: {  	_ =	shalt  }
0x82: {  	_ =	shalt  }
0x83: {  	_ =	shalt  }
0x84: {  	_ =	shalt  }
0x85: {  	_ =	shalt  }
0x86: {  	_ =	shalt  }
0x87: {  	_ =	shalt  }
.Lfunc_end0:
.L_simem_size_0:
called_computation_lowered:
.L_overlay_start_0:
0x88: {  	s2 =	sld [smem:$0x3FD9]  }
0x89: {  	s3 =	sld [smem:$0x3FFE];
	_ =	sdelay $0x1  }
0x8a: {  	s1 =	srdreg.scid  }
0x8b: {  	s0 =	sand.u32 $0x1, s1  }
0x8c: {  	s17 =	sshll.u32 s0, $0xA;
	s2 =	sadd.s32 s3, s2  }
0x8d: {  	s2 =	sadd.s32 s2, s17  }
0x8e: {  	[smem:$0x3FC6] =	sst s2  }
0x8f: {  	_ = 	snop  }
0x90: {  	s2 =	sld [smem:$0x3FC9]  }
0x91: {  	s18 =	sld [smem:$0x3FC8];
	(tm) =	ssettm $0x1  }
0x92: {  	s4 =	sld [smem:$0x3FFB];
	_ =	sdelay $0x3  }
0x93: {  	_ =	strace s4  }
0x94: {  	s4 =	sld [smem:$0x3FFC];
	_ =	sdelay $0x3  }
0x95: {  	_ =	strace s4  }
0x96: {  	s4 =	sld [smem:$0x3FFD];
	_ =	sdelay $0x3  }
0x97: {  	_ =	strace s4  }
0x98: {  	_ =	strace $0x8FFFFFFF  }
0x99: {  	s19 =	sld [smem:$0x3FDB];
	_ =	sdelay $0x1  }
0x9a: {  	s5 =	simm.s32 $_scs_section_size  }
0x9b: {  	s6 =	simm.s32 $_size__tile_overlayer_lowered;
	s7 =	simm.s32 $_tile_overlayer_lowered  }
0x9c: {  	s22 =	simm.s32 $0x1BFF;
	s21 =	sshll.u32 s7, $0x1;
	s4 =	sadd.s32 s5, s19  }
0x9d: {  	s8 =	simm.s32 $0x0;
	s20 =	sshll.u32 s6, $0x1;
	s6 =	sadd.s32 s21, s4  }
0x9e: {  	[timem:s8], [sflag:s22] =	dma.local [hbm:s6], s20  }
0x9f: {  	_ =	swait.ge [sflag:s22], s20  }
0xa0: {  	s5 =	ssub.s32 $0x0, s20;
	[sflag:s22] =	ssyncset.done $0x0  }
0xa1: {  	[sflag:s22] =	ssyncadd.s32 s5;
	_ =	sdelay $0x1  }
0xa2: {  	s23 =	simm.s32 $0x1B8B  }
0xa3: {  	_ =	swait.ge [sflag:s23], $0x1  }
0xa4: {  	[sflag:s23] =	ssyncset.done $0x0  }
0xa5: {  	s25 =	simm.s32 $0x1B8E;
	s24 =	sld [smem:$0x3FFE];
	[sflag:s23] =	ssyncadd.s32 $0xFFFFFFFF  }
0xa6: {  	s26 =	simm.s32 $execute0_lowered;
	[smem:$0x3FD2] =	sst s25  }
0xa7: {  	s6 =	sshll.u32 s26, $0x1;
	_ =	strace $0x80000046;
	[dreg:$0x1] =	wrdreg $0xFFFFFFFF  }
0xa8: {  	s28 =	simm.s32 $_size_execute0_lowered;
	s4 =	sadd.s32 s4, s6;
	[dreg:$0x0] =	wrdreg $0x0  }
0xa9: {  	s6 =	sshll.u32 s28, $0x1;
	[dreg:$0x2] =	wrdreg s4  }
0xaa: {  	[dreg:$0x3] =	wrdreg s6  }
0xab: {  	[dreg:$0x4] =	wrdreg $0xC0  }
0xac: {  	_ =	task [dreg:s8], $0x5FFFF  }
0xad: {  	[dreg:$0x1] =	wrdreg $0xFFFFFFFF  }
0xae: {  	[dreg:$0x0] =	wrdreg $0x60  }
0xaf: {  	[dreg:$0x2] =	wrdreg s2  }
0xb0: {  	[dreg:$0x3] =	wrdreg s18  }
0xb1: {  	[dreg:$0x4] =	wrdreg s24  }
0xb2: {  	[dreg:$0x5] =	wrdreg $0x9  }
0xb3: {  	_ =	task.clear_ibuf [dreg:s8], $0x6FFFF;
	_ =	strace $0x90000046  }
0xb4: {  	s29 =	simm.s32 $0x9;
	_ =	strace $0x80000048  }
0xb5: {  	_ =	swait.ge [sflag:s29], $0x1  }
0xb6: {  	[sflag:s29] =	ssyncadd.s32 $0xFFFFFFFF  }
0xb7: {  	_ =	strace $0x90000048  }
0xb8: {  	_ =	sfence  }
0xb9: {  	s30 =	sld [smem:$0x0];
	_ =	sdelay $0x2  }
0xba: {  	s31 =	sshll.u32 s1, $0xD;
	s1 =	sshrl.u32 s1, $0x2  }
0xbb: {  	s3 =	sand.u32 $0x4000, s31;
	s1 =	sadd.s32 s1, s30  }
0xbc: {  	s0 =	sor.u32 s3, s0;
	s1 =	sshll.u32 s1, $0x11  }
0xbd: {  	s0 =	sor.u32 s1, s0  }
0xbe: {  	s0 =	sadd.s32 $0x8F2B, s0  }
0xbf: {  	[sflag:s0] =	ssyncadd.remote.s32 $0x1  }
0xc0: {  	_ =	sfence.sel $0xFFFF  }
0xc1: {  	[dreg:$0x0] =	wrdreg $0xFFFFFFFF;
	(pc) =	sbr.abs _section_cstart, $3  }
0xc2: {  	[dreg:$0x1] =	wrdreg $0xFFFFFFFF  }
0xc3: {  	_ =	task.clear_ibuf [dreg:s8], $0x2FFFF;
	_ =	strace $0x9FFFFFFF  }
0xc4: {  	(tm) =	ssettm $0x7FFFFFFF  }
0xc5: {  	_ =	shalt  }
tec
execute0_lowered:
.L_overlay_start_1:
0x0: {  	(tag) =	ssettag $0x1  }
0x1: {  	s3 =	rddreg [dreg:$0x0]  }
0x2: {  	s4 =	rddreg [dreg:$0x1]  }
0x3: {  	s5 =	rddreg [dreg:$0x2]  }
0x4: {  	s0 =	rddreg [dreg:$0x3];
	s6 =	srdreg.scid  }
0x5: {  	s1 =	stileid.u32;
	s2 =	simm.s32 $0x0;
	s11 =	simm.s32 $0x0  }
0x6: {  	s6 =	sand.u32 $0x1, s6;
	s7 =	sshll.u32 s1, $0x1;
	[smem:$0x7FF] =	sst s2  }
0x7: {  	s8 =	sshll.u32 s1, $0xC;
	s7 =	sor.u32 s6, s7;
	_ =	strace $0x80000047  }
0x8: {  	s6 =	ssub.s32 $0x2, s6;
	s8 =	sand.u32 $0x8000, s8;
	s9 =	sshll.u32 s7, $0xB  }
0x9: {  	s7 =	sshll.u32 s7, $0x4;
	s10 =	sshrl.u32 s6, $0x1;
	s9 =	sand.u32 $0x7800, s9  }
0xa: {  	s5 =	sadd.s32 s7, s5;
	s6 =	ssub.s32 s6, s10;
	s7 =	simm.s32 $0x4000  }
0xb: {  	s10 =	simm.s32 $0x2;
	s8 =	sor.u32 s9, s8;
	s5 =	sadd.s32 $0x800, s5  }
0xc: {  	s6 =	smax.u32 s6, $0x1;
	s9 =	simm.s32 $0x8000;
	s31 =	sor.u32 $0x70000, s8  }
0xd: {  	s8 =	simm.s32 $0x1;
	s3 =	sadd.s32 s3, s31;
	s4 =	sadd.s32 s4, s31  }
.LBB2_1:
0xe: {  	[tilespmem:s2], [sflag:$0x1] =	stream.linear.gather [hbm4b:s3+s2], $0x4000, $0x38;
	[tilespmem:$0x8080] =	vst v63  }
0xf: {  	_ = 	snop  }
0x10: {  	[tilespmem:s7], [sflag:$0x1] =	stream.linear.gather [hbm4b:s4+s2], $0x4000, $0x38;
	[tilespmem:$0x8080] =	vst v63  }
0x11: {  	_ =	swait.ge [sflag:s8], $0x4000  }
0x12: {  	[sflag:s8] =	ssyncset.done $0x0  }
0x13: {  	[sflag:s8] =	ssyncadd.s32 $0xFFFFC000  }
0x14: {  	_ =	swait.ge [sflag:s8], $0x4000  }
0x15: {  	s12 =	sand.u32 $0x3000, s2;
	s13 =	sand.u32 $0x380, s2;
	[sflag:s8] =	ssyncset.done $0x0  }
0x16: {  	s12 =	sor.u32 s13, s12;
	[sflag:s8] =	ssyncadd.s32 $0xFFFFC000  }
0x17: {  	v0 =	vld [tilespmem:s12+$0xC70]  }
0x18: {  	v1 =	vld [tilespmem:s12+$0xC60]  }
0x19: {  	v2 =	vld [tilespmem:s12+$0xC50]  }
0x1a: {  	v3 =	vld [tilespmem:s12+$0xC40]  }
0x1b: {  	v4 =	vld [tilespmem:s12+$0xC30]  }
0x1c: {  	v6 =	vld [tilespmem:s12+$0xC10]  }
0x1d: {  	v5 =	vld [tilespmem:s12+$0xC20]  }
0x1e: {  	v0 =	vsub.f32 $0.0e+00, v0  }
0x1f: {  	v7 =	vld [tilespmem:s12+$0xC00];
	v1 =	vsub.f32 $0.0e+00, v1;
	v2 =	vsub.f32 $0.0e+00, v2  }
0x20: {  	v8 =	vld [tilespmem:s12+$0x870];
	v3 =	vsub.f32 $0.0e+00, v3;
	v4 =	vsub.f32 $0.0e+00, v4;
	v0 =	vmul.f32 $1.442695020e+00, v0  }
0x21: {  	v9 =	vld [tilespmem:s12+$0x860];
	v6 =	vsub.f32 $0.0e+00, v6;
	v1 =	vmul.f32 $1.442695020e+00, v1;
	v2 =	vmul.f32 $1.442695020e+00, v2  }
0x22: {  	(erf) = vpow2.f32 v0;
	v0 =	vmul.f32 $1.442695020e+00, v3;
	v3 =	vsub.f32 $0.0e+00, v5;
	v5 =	vld [tilespmem:s12+$0x850]  }
0x23: {  	v4 =	vmul.f32 $1.442695020e+00, v4;
	(erf) = vpow2.f32 v1;
	v1 =	vld [tilespmem:s12+$0x840]  }
0x24: {  	v7 =	vsub.f32 $0.0e+00, v7;
	v6 =	vmul.f32 $1.442695020e+00, v6;
	(erf) = vpow2.f32 v2;
	v2 =	vld [tilespmem:s12+$0x830]  }
0x25: {  	v8 =	vsub.f32 $0.0e+00, v8;
	v3 =	vmul.f32 $1.442695020e+00, v3;
	(erf) = vpow2.f32 v0;
	v0 =	vld [tilespmem:s12+$0x820]  }
0x26: {  	v9 =	vsub.f32 $0.0e+00, v9;
	v7 =	vmul.f32 $1.442695020e+00, v7;
	(erf) = vpow2.f32 v4;
	v4 =	vld [tilespmem:s12+$0x810]  }
0x27: {  	v8 =	vmul.f32 $1.442695020e+00, v8;
	(erf) = vpow2.f32 v3;
	v3 =	vld [tilespmem:s12+$0x800];
	v5 =	vsub.f32 $0.0e+00, v5  }
0x28: {  	v9 =	vmul.f32 $1.442695020e+00, v9;
	(erf) = vpow2.f32 v6;
	v6 =	vld [tilespmem:s12+$0x470];
	v1 =	vsub.f32 $0.0e+00, v1  }
0x29: {  	(erf) = vpow2.f32 v7;
	v7 =	vld [tilespmem:s12+$0x460];
	v2 =	vsub.f32 $0.0e+00, v2;
	v5 =	vmul.f32 $1.442695020e+00, v5  }
0x2a: {  	(erf) = vpow2.f32 v8;
	v8 =	vld [tilespmem:s12+$0x450];
	v0 =	vsub.f32 $0.0e+00, v0;
	v1 =	vmul.f32 $1.442695020e+00, v1  }
0x2b: {  	v10 =	vld [tilespmem:s12+$0x440];
	v4 =	vsub.f32 $0.0e+00, v4;
	v2 =	vmul.f32 $1.442695020e+00, v2  }
0x2c: {  	v11 =	vld [tilespmem:s12+$0x430];
	(erf) = vpow2.f32 v9;
	v9 =	vpop (erf);
	v3 =	vsub.f32 $0.0e+00, v3;
	v0 =	vmul.f32 $1.442695020e+00, v0  }
0x2d: {  	v12 =	vld [tilespmem:s12+$0x420];
	(erf) = vpow2.f32 v5;
	v5 =	vpop (erf);
	v6 =	vsub.f32 $0.0e+00, v6;
	v4 =	vmul.f32 $1.442695020e+00, v4  }
0x2e: {  	v13 =	vld [tilespmem:s12+$0x410];
	(erf) = vpow2.f32 v1;
	v1 =	vpop (erf);
	v7 =	vsub.f32 $0.0e+00, v7;
	v3 =	vmul.f32 $1.442695020e+00, v3  }
0x2f: {  	v14 =	vld [tilespmem:s12+$0x400];
	(erf) = vpow2.f32 v2;
	v2 =	vpop (erf);
	v8 =	vsub.f32 $0.0e+00, v8;
	v6 =	vmul.f32 $1.442695020e+00, v6  }
0x30: {  	v15 =	vld [tilespmem:s12+$0x70];
	v10 =	vsub.f32 $0.0e+00, v10;
	(erf) = vpow2.f32 v0;
	v0 =	vpop (erf);
	v7 =	vmul.f32 $1.442695020e+00, v7  }
0x31: {  	v16 =	vld [tilespmem:s12+$0x60];
	v11 =	vsub.f32 $0.0e+00, v11;
	(erf) = vpow2.f32 v4;
	v4 =	vpop (erf);
	v8 =	vmul.f32 $1.442695020e+00, v8  }
0x32: {  	v17 =	vld [tilespmem:s12+$0x50];
	v10 =	vmul.f32 $1.442695020e+00, v10;
	(erf) = vpow2.f32 v3;
	v3 =	vpop (erf)  }
0x33: {  	v18 =	vld [tilespmem:s12+$0x40];
	v12 =	vsub.f32 $0.0e+00, v12;
	v11 =	vmul.f32 $1.442695020e+00, v11;
	(erf) = vpow2.f32 v6;
	v6 =	vpop (erf)  }
0x34: {  	v19 =	vld [tilespmem:s12+$0x30];
	v13 =	vsub.f32 $0.0e+00, v13;
	v14 =	vsub.f32 $0.0e+00, v14;
	(erf) = vpow2.f32 v7;
	v7 =	vpop (erf)  }
0x35: {  	v15 =	vsub.f32 $0.0e+00, v15;
	v12 =	vmul.f32 $1.442695020e+00, v12;
	(erf) = vpow2.f32 v8;
	v8 =	vpop (erf)  }
0x36: {  	v20 =	vld [tilespmem:s12+$0x20];
	v16 =	vsub.f32 $0.0e+00, v16;
	v13 =	vmul.f32 $1.442695020e+00, v13;
	(erf) = vpow2.f32 v10;
	v10 =	vpop (erf)  }
0x37: {  	v21 =	vld [tilespmem:s12+$0x10];
	v17 =	vsub.f32 $0.0e+00, v17;
	v15 =	vmul.f32 $1.442695020e+00, v15;
	(erf) = vpow2.f32 v11;
	v11 =	vpop (erf)  }
0x38: {  	v22 =	vld [tilespmem:s12+$0x0];
	v18 =	vsub.f32 $0.0e+00, v18;
	v14 =	vmul.f32 $1.442695020e+00, v14;
	(erf) = vpow2.f32 v12;
	v61 =	vpop (erf)  }
0x39: {  	v19 =	vsub.f32 $0.0e+00, v19;
	v16 =	vmul.f32 $1.442695020e+00, v16;
	(erf) = vpow2.f32 v13;
	v62 =	vpop (erf)  }
0x3a: {  	v23 =	vmul.f32 $1.442695020e+00, v17;
	(erf) = vpow2.f32 v14;
	v63 =	vpop (erf)  }
0x3b: {  	v20 =	vsub.f32 $0.0e+00, v20;
	v18 =	vmul.f32 $1.442695020e+00, v18;
	(erf) = vpow2.f32 v15;
	v15 =	vpop (erf)  }
0x3c: {  	(erf) = vpow2.f32 v16;
	v16 =	vsub.f32 $0.0e+00, v21;
	v21 =	vmul.f32 $1.442695020e+00, v19;
	v17 =	vpop (erf)  }
0x3d: {  	v22 =	vsub.f32 $0.0e+00, v22;
	(erf) = vpow2.f32 v23;
	v19 =	vpop (erf)  }
0x3e: {  	v23 =	vmul.f32 $1.442695020e+00, v20;
	(erf) = vpow2.f32 v18;
	v25 =	vpop (erf)  }
0x3f: {  	v16 =	vmul.f32 $1.442695020e+00, v16;
	(erf) = vpow2.f32 v21;
	v20 =	vpop (erf)  }
0x40: {  	v18 =	vmul.f32 $1.442695020e+00, v22;
	(erf) = vpow2.f32 v23;
	v21 =	vpop (erf)  }
0x41: {  	v9 =	vadd.f32 $1.000000000e+00, v9;
	(erf) = vpow2.f32 v16;
	v22 =	vpop (erf)  }
0x42: {  	v5 =	vadd.f32 $1.000000000e+00, v5;
	(erf) = vpow2.f32 v18;
	v23 =	vpop (erf)  }
0x43: {  	v1 =	vadd.f32 $1.000000000e+00, v1;
	(erf) = vrcp.f32 v9;
	v40 =	vpop (erf)  }
0x44: {  	v2 =	vadd.f32 $1.000000000e+00, v2;
	(erf) = vrcp.f32 v5;
	v39 =	vpop (erf)  }
0x45: {  	v0 =	vadd.f32 $1.000000000e+00, v0;
	(erf) = vrcp.f32 v1;
	v41 =	vpop (erf)  }
0x46: {  	v1 =	vadd.f32 $1.000000000e+00, v4;
	(erf) = vrcp.f32 v2;
	v38 =	vpop (erf)  }
0x47: {  	v2 =	vadd.f32 $1.000000000e+00, v3;
	(erf) = vrcp.f32 v0;
	v37 =	vpop (erf)  }
0x48: {  	v0 =	vadd.f32 $1.000000000e+00, v6;
	(erf) = vrcp.f32 v1;
	v35 =	vpop (erf)  }
0x49: {  	v1 =	vadd.f32 $1.000000000e+00, v7;
	(erf) = vrcp.f32 v2;
	v31 =	vpop (erf)  }
0x4a: {  	v45 =	vld [tilespmem:s12+$0x4C60];
	v2 =	vadd.f32 $1.000000000e+00, v8;
	(erf) = vrcp.f32 v0;
	v34 =	vpop (erf)  }
0x4b: {  	v47 =	vld [tilespmem:s12+$0x4C50];
	v0 =	vadd.f32 $1.000000000e+00, v10;
	(erf) = vrcp.f32 v1;
	v28 =	vpop (erf)  }
0x4c: {  	v52 =	vld [tilespmem:s12+$0x4C40];
	v1 =	vadd.f32 $1.000000000e+00, v11;
	(erf) = vrcp.f32 v2;
	v36 =	vpop (erf)  }
0x4d: {  	v32 =	vimm.f32 $0.0e+00;
	v55 =	vld [tilespmem:s12+$0x4C30];
	v2 =	vadd.f32 $1.000000000e+00, v61;
	(erf) = vrcp.f32 v0;
	v50 =	vpop (erf)  }
0x4e: {  	v33 =	vimm.f32 $0.0e+00;
	v5 =	vld [tilespmem:s12+$0x4C20];
	v3 =	vadd.f32 $1.000000000e+00, v62;
	(erf) = vrcp.f32 v1;
	v57 =	vpop (erf)  }
0x4f: {  	v44 =	vimm.f32 $0.0e+00;
	v60 =	vimm.f32 $0.0e+00;
	v6 =	vld [tilespmem:s12+$0x4C10];
	(erf) = vrcp.f32 v2;
	v24 =	vpop (erf)  }
0x50: {  	s14 =	simm.s32 $0x0;
	s13 =	simm.s32 $0x200;
	v10 =	vld [tilespmem:s12+$0x4C00];
	v0 =	vadd.f32 $1.000000000e+00, v63;
	v1 =	vadd.f32 $1.000000000e+00, v15;
	(erf) = vrcp.f32 v3;
	v9 =	vpop (erf)  }
.LBB2_2:
0x51: {  	_ = 	snop  }
0x52: {  	v2 =	vadd.f32 $1.000000000e+00, v17;
	(erf) = vrcp.f32 v0  }
0x53: {  	v11 =	vpop (erf);
	v0 =	vadd.f32 $1.000000000e+00, v19;
	(erf) = vrcp.f32 v1  }
0x54: {  	v13 =	vpop (erf);
	v1 =	vadd.f32 $1.000000000e+00, v25;
	(erf) = vrcp.f32 v2  }
0x55: {  	s14 =	sadd.s32 $0x80, s14;
	v16 =	vpop (erf);
	v2 =	vadd.f32 $1.000000000e+00, v20;
	(erf) = vrcp.f32 v0  }
0x56: {  	s15 =	sand.u32 $0x3000, s13;
	s16 =	sand.u32 $0x380, s14;
	v26 =	vpop (erf);
	v0 =	vadd.f32 $1.000000000e+00, v21;
	(erf) = vrcp.f32 v1  }
0x57: {  	s15 =	sor.u32 s16, s15;
	v21 =	vpop (erf);
	(erf) = vrcp.f32 v2  }
0x58: {  	v3 =	vadd.f32 $1.000000000e+00, v22;
	v27 =	vpop (erf);
	(erf) = vrcp.f32 v0;
	v0 =	vld [tilespmem:s15+$0xC50];
	_ =	sdelay $0x1  }
0x59: {  	v4 =	vadd.f32 $1.000000000e+00, v23;
	v23 =	vpop (erf);
	(erf) = vrcp.f32 v3;
	v3 =	vld [tilespmem:s15+$0xC40];
	_ =	sdelay $0x2  }
0x5a: {  	v0 =	vsub.f32 $0.0e+00, v0;
	_ =	sdelay $0x1  }
0x5b: {  	v3 =	vsub.f32 $0.0e+00, v3;
	v0 =	vmul.f32 $1.442695020e+00, v0;
	_ =	sdelay $0x1  }
0x5c: {  	[tilespmem:$0x1FFD0] =	vst v0;
	v0 =	vmul.f32 $1.442695020e+00, v3;
	_ =	sdelay $0x1  }
0x5d: {  	[tilespmem:$0x1FFF0] =	vst v0;
	v0 =	vmul.f32 v57, v47;
	_ =	sdelay $0x1  }
0x5e: {  	[tilespmem:$0x1FF70] =	vst v0;
	v0 =	vmul.f32 v50, v45;
	_ =	sdelay $0x1  }
0x5f: {  	[tilespmem:$0x1FFA0] =	vst v0;
	v0 =	vmul.f32 v9, v55;
	_ =	sdelay $0x1  }
0x60: {  	[tilespmem:$0x1FF10] =	vst v0;
	v0 =	vmul.f32 v24, v52  }
0x61: {  	v12 =	vld [tilespmem:s12+$0x4870]  }
0x62: {  	[tilespmem:$0x1FF40] =	vst v0;
	v0 =	vmul.f32 v13, v6;
	_ =	sdelay $0x1  }
0x63: {  	[tilespmem:$0x1FEC0] =	vst v0;
	v0 =	vmul.f32 v11, v5  }
0x64: {  	v61 =	vld [tilespmem:s12+$0x4850]  }
0x65: {  	v1 =	vld [tilespmem:s15+$0xC70];
	[tilespmem:$0x1FEE0] =	vst v0;
	v0 =	vmul.f32 v26, v12  }
0x66: {  	[tilespmem:$0x1FEF0] =	vst v24;
	v19 =	vld [tilespmem:s12+$0x4860]  }
0x67: {  	v2 =	vld [tilespmem:s15+$0xC60];
	[tilespmem:$0x1FE70] =	vst v0;
	v0 =	vmul.f32 v16, v10  }
0x68: {  	[tilespmem:$0x1FF80] =	vst v36;
	v46 =	vmov v32;
	v36 =	vld [tilespmem:s12+$0x4830];
	v7 =	vadd.f32 $1.000000000e+00, v40  }
0x69: {  	v8 =	vadd.f32 $1.000000000e+00, v39;
	v29 =	vmov v44;
	v30 =	vpop (erf);
	[tilespmem:$0x1FE90] =	vst v0;
	v0 =	vmul.f32 v27, v61  }
0x6a: {  	[tilespmem:$0x1FED0] =	vst v9;
	v43 =	vld [tilespmem:s12+$0x4840];
	v32 =	vpop (erf);
	(erf) = vrcp.f32 v4;
	v4 =	vadd.f32 $1.000000000e+00, v41;
	v1 =	vsub.f32 $0.0e+00, v1  }
0x6b: {  	(erf) = vrcp.f32 v7;
	v40 =	vpop (erf);
	v7 =	vadd.f32 $1.000000000e+00, v38;
	[tilespmem:$0x1FE10] =	vst v0;
	v0 =	vmul.f32 v21, v19  }
0x6c: {  	[tilespmem:$0x1FF20] =	vst v57;
	v44 =	vld [tilespmem:s12+$0x4810];
	(erf) = vrcp.f32 v8;
	v49 =	vpop (erf);
	v2 =	vsub.f32 $0.0e+00, v2;
	v1 =	vmul.f32 $1.442695020e+00, v1  }
0x6d: {  	v8 =	vadd.f32 $1.000000000e+00, v37;
	(erf) = vrcp.f32 v4;
	v53 =	vpop (erf);
	[tilespmem:$0x1FE40] =	vst v0;
	v0 =	vmul.f32 v30, v36  }
0x6e: {  	v41 =	vld [tilespmem:s12+$0x4820];
	v4 =	vadd.f32 $1.000000000e+00, v35;
	(erf) = vrcp.f32 v7;
	v56 =	vpop (erf);
	v2 =	vmul.f32 $1.442695020e+00, v2;
	[tilespmem:$0x1FFB0] =	vst v1  }
0x6f: {  	v7 =	vadd.f32 $1.000000000e+00, v31;
	(erf) = vrcp.f32 v8;
	v59 =	vpop (erf);
	[tilespmem:$0x1FDD0] =	vst v0;
	v0 =	vmul.f32 v23, v43  }
0x70: {  	v51 =	vld [tilespmem:s12+$0x4470];
	v1 =	vadd.f32 $1.000000000e+00, v34;
	(erf) = vrcp.f32 v4;
	v63 =	vpop (erf);
	[tilespmem:$0x1FFC0] =	vst v2  }
0x71: {  	v2 =	vadd.f32 $1.000000000e+00, v28;
	(erf) = vrcp.f32 v7;
	v25 =	vpop (erf);
	[tilespmem:$0x1FDF0] =	vst v0;
	v0 =	vmul.f32 v40, v44  }
0x72: {  	v48 =	vld [tilespmem:s12+$0x4800];
	[tilespmem:$0x1FE50] =	vst v16;
	(erf) = vrcp.f32 v1;
	v42 =	vpop (erf)  }
0x73: {  	v58 =	vld [tilespmem:s12+$0x4450];
	(erf) = vrcp.f32 v2;
	v22 =	vpop (erf);
	[tilespmem:$0x1FD90] =	vst v0;
	v0 =	vmul.f32 v32, v41  }
0x74: {  	v62 =	vld [tilespmem:s12+$0x4440];
	[tilespmem:$0x1FF60] =	vst v47;
	v47 =	vpop (erf)  }
0x75: {  	v20 =	vld [tilespmem:s12+$0x4430];
	v17 =	vpop (erf);
	[tilespmem:$0x1FDB0] =	vst v0;
	v0 =	vmul.f32 v53, v51  }
0x76: {  	[tilespmem:$0x1FF90] =	vst v45;
	v37 =	vld [tilespmem:s12+$0x4010];
	v15 =	vpop (erf)  }
0x77: {  	v45 =	vld [tilespmem:s12+$0x4410];
	v16 =	vpop (erf);
	[tilespmem:$0x1FD60] =	vst v0;
	v0 =	vmul.f32 v49, v48  }
0x78: {  	[tilespmem:$0x1FEB0] =	vst v6;
	v3 =	vld [tilespmem:s15+$0xC20];
	v6 =	vpop (erf)  }
0x79: {  	v9 =	vpop (erf);
	[tilespmem:$0x1FD70] =	vst v0;
	v0 =	vld [tilespmem:s12+$0x4000]  }
0x7a: {  	[tilespmem:$0x1FF00] =	vst v55;
	v57 =	vld [tilespmem:s12+$0x4020];
	v55 =	vpop (erf)  }
0x7b: {  	[tilespmem:$0x1FE60] =	vst v12;
	v34 =	vmul.f32 v59, v58;
	v31 =	vmul.f32 v63, v62;
	v12 =	vpop (erf)  }
0x7c: {  	[tilespmem:$0x1FDA0] =	vst v30;
	v28 =	vmul.f32 v25, v20;
	v24 =	vmul.f32 v22, v45;
	v30 =	vpop (erf)  }
0x7d: {  	[tilespmem:$0x1FDE0] =	vst v27;
	v27 =	vld [tilespmem:s12+$0x4030];
	v4 =	vmul.f32 v12, v37;
	v1 =	vmul.f32 v30, v30  }
0x7e: {  	[tilespmem:$0x1FD80] =	vst v32;
	v2 =	vsub.f32 $0.0e+00, v3;
	v12 =	vmul.f32 v12, v12;
	v30 =	vmul.f32 v30, v0  }
0x7f: {  	v18 =	vld [tilespmem:s12+$0x4420];
	v32 =	vmovc v5;
	v5 =	vmul.f32 v55, v57;
	v3 =	vmul.f32 v1, v0;
	v1 =	vadd.f32 v1, v29  }
0x80: {  	[tilespmem:$0x1FFE0] =	vst v2;
	v55 =	vmul.f32 v55, v55;
	v2 =	vadd.f32 v0, v46;
	v30 =	vadd.f32 v30, v33  }
0x81: {  	v39 =	vmovc v10;
	v10 =	vld [tilespmem:s12+$0x4040];
	v0 =	vmul.f32 v12, v37;
	v3 =	vadd.f32 v3, v60;
	v1 =	vadd.f32 v12, v1  }
0x82: {  	v7 =	vmul.f32 v9, v27;
	v9 =	vmul.f32 v9, v9;
	v4 =	vadd.f32 v4, v30  }
0x83: {  	[tilespmem:$0x1FF30] =	vst v52;
	v52 =	vld [tilespmem:s12+$0x4050];
	v0 =	vadd.f32 v0, v3;
	v3 =	vmul.f32 v55, v57;
	v1 =	vadd.f32 v55, v1  }
0x84: {  	[tilespmem:$0x1FE20] =	vst v26;
	v26 =	vmul.f32 v42, v18;
	v4 =	vadd.f32 v5, v4;
	v5 =	vmul.f32 v6, v6  }
0x85: {  	[tilespmem:$0x1FF50] =	vst v50;
	v8 =	vld [tilespmem:s12+$0x4070];
	v0 =	vadd.f32 v3, v0;
	v3 =	vmul.f32 v9, v27;
	v1 =	vadd.f32 v9, v1  }
0x86: {  	[tilespmem:$0x1FEA0] =	vst v11;
	v50 =	vld [tilespmem:s12+$0x4060];
	v11 =	vmul.f32 v6, v10;
	v6 =	vmul.f32 v16, v16  }
0x87: {  	v0 =	vadd.f32 v3, v0;
	v3 =	vmul.f32 v5, v10;
	v1 =	vadd.f32 v5, v1  }
0x88: {  	[tilespmem:$0x1FE80] =	vst v13;
	v13 =	vmul.f32 v16, v52;
	v4 =	vadd.f32 v7, v4;
	v7 =	vmul.f32 v15, v15  }
0x89: {  	v14 =	vld [tilespmem:s12+$0x4400];
	v0 =	vadd.f32 v3, v0;
	v3 =	vmul.f32 v6, v52;
	v1 =	vadd.f32 v6, v1  }
0x8a: {  	[tilespmem:$0x1FE00] =	vst v21;
	v21 =	vmul.f32 v17, v8;
	v5 =	vmul.f32 v17, v17;
	v4 =	vadd.f32 v11, v4  }
0x8b: {  	v0 =	vadd.f32 v3, v0;
	v3 =	vmul.f32 v7, v50;
	v1 =	vadd.f32 v7, v1  }
0x8c: {  	[tilespmem:$0x1FE30] =	vst v19;
	v19 =	vmul.f32 v15, v50;
	v6 =	vmul.f32 v47, v47;
	v4 =	vadd.f32 v13, v4  }
0x8d: {  	v0 =	vadd.f32 v3, v0;
	v3 =	vmul.f32 v5, v8;
	v1 =	vadd.f32 v5, v1  }
0x8e: {  	[tilespmem:$0x1FDC0] =	vst v23;
	v23 =	vmul.f32 v47, v14;
	v7 =	vmul.f32 v22, v22;
	v4 =	vadd.f32 v19, v4  }
0x8f: {  	v0 =	vadd.f32 v3, v0;
	v3 =	vmul.f32 v6, v14;
	v1 =	vadd.f32 v6, v1  }
0x90: {  	v2 =	vadd.f32 v37, v2;
	v5 =	vmul.f32 v42, v42;
	v4 =	vadd.f32 v21, v4  }
0x91: {  	v0 =	vadd.f32 v3, v0;
	v3 =	vmul.f32 v7, v45;
	v1 =	vadd.f32 v7, v1  }
0x92: {  	v2 =	vadd.f32 v57, v2;
	v6 =	vmul.f32 v25, v25;
	v4 =	vadd.f32 v23, v4  }
0x93: {  	v0 =	vadd.f32 v3, v0;
	v3 =	vmul.f32 v5, v18;
	v1 =	vadd.f32 v5, v1  }
0x94: {  	v2 =	vadd.f32 v27, v2;
	v7 =	vmul.f32 v63, v63;
	v4 =	vadd.f32 v24, v4  }
0x95: {  	v0 =	vadd.f32 v3, v0;
	v3 =	vmul.f32 v6, v20;
	v1 =	vadd.f32 v6, v1  }
0x96: {  	v54 =	vld [tilespmem:s12+$0x4460];
	v2 =	vadd.f32 v10, v2;
	v5 =	vmul.f32 v59, v59;
	v4 =	vadd.f32 v26, v4  }
0x97: {  	v0 =	vadd.f32 v3, v0;
	v3 =	vmul.f32 v7, v62;
	v1 =	vadd.f32 v7, v1  }
0x98: {  	v2 =	vadd.f32 v52, v2;
	v6 =	vmul.f32 v56, v56;
	v4 =	vadd.f32 v28, v4  }
0x99: {  	v0 =	vadd.f32 v3, v0;
	v3 =	vmul.f32 v5, v58;
	v1 =	vadd.f32 v5, v1  }
0x9a: {  	v2 =	vadd.f32 v50, v2;
	v7 =	vmul.f32 v53, v53;
	v4 =	vadd.f32 v31, v4  }
0x9b: {  	v0 =	vadd.f32 v3, v0;
	v3 =	vmul.f32 v6, v54;
	v1 =	vadd.f32 v6, v1;
	v6 =	vld [tilespmem:$0x1FD60]  }
0x9c: {  	v35 =	vmul.f32 v56, v54;
	v2 =	vadd.f32 v8, v2;
	v4 =	vadd.f32 v34, v4  }
0x9d: {  	v0 =	vadd.f32 v3, v0;
	v3 =	vmul.f32 v7, v51;
	v1 =	vadd.f32 v7, v1;
	v7 =	vld [tilespmem:$0x1FD70]  }
0x9e: {  	v2 =	vadd.f32 v14, v2;
	v4 =	vadd.f32 v35, v4  }
0x9f: {  	v5 =	vmul.f32 v49, v49  }
0xa0: {  	v2 =	vadd.f32 v45, v2;
	v4 =	vadd.f32 v6, v4  }
0xa1: {  	v0 =	vadd.f32 v3, v0;
	v3 =	vmul.f32 v5, v48;
	v1 =	vadd.f32 v5, v1;
	v5 =	vld [tilespmem:$0x1FD90]  }
0xa2: {  	v2 =	vadd.f32 v18, v2;
	v4 =	vadd.f32 v7, v4;
	v7 =	vld [tilespmem:$0x1FD80]  }
0xa3: {  	v6 =	vmul.f32 v40, v40  }
0xa4: {  	v2 =	vadd.f32 v20, v2  }
0xa5: {  	v0 =	vadd.f32 v3, v0;
	v3 =	vmul.f32 v6, v44;
	v1 =	vadd.f32 v6, v1;
	v6 =	vld [tilespmem:$0x1FDB0]  }
0xa6: {  	v2 =	vadd.f32 v62, v2;
	v4 =	vadd.f32 v5, v4;
	v5 =	vld [tilespmem:$0x1FDA0]  }
0xa7: {  	v7 =	vmul.f32 v7, v7  }
0xa8: {  	v2 =	vadd.f32 v58, v2  }
0xa9: {  	v0 =	vadd.f32 v3, v0;
	v3 =	vmul.f32 v7, v41;
	v1 =	vadd.f32 v7, v1;
	v7 =	vld [tilespmem:$0x1FDD0]  }
0xaa: {  	v2 =	vadd.f32 v54, v2  }
0xab: {  	v4 =	vadd.f32 v6, v4;
	v6 =	vld [tilespmem:$0x1FDC0];
	v5 =	vmul.f32 v5, v5  }
0xac: {  	v2 =	vadd.f32 v51, v2  }
0xad: {  	v0 =	vadd.f32 v3, v0;
	v3 =	vmul.f32 v5, v36;
	v1 =	vadd.f32 v5, v1;
	v5 =	vld [tilespmem:$0x1FDF0]  }
0xae: {  	v2 =	vadd.f32 v48, v2;
	v4 =	vadd.f32 v7, v4;
	v7 =	vld [tilespmem:$0x1FDE0];
	_ =	sdelay $0x1  }
0xaf: {  	v2 =	vadd.f32 v44, v2;
	v6 =	vmul.f32 v6, v6;
	_ =	sdelay $0x1  }
0xb0: {  	v2 =	vadd.f32 v41, v2;
	v0 =	vadd.f32 v3, v0;
	v3 =	vmul.f32 v6, v43  }
0xb1: {  	v1 =	vadd.f32 v6, v1;
	v4 =	vadd.f32 v5, v4;
	v5 =	vld [tilespmem:$0x1FE00];
	v7 =	vmul.f32 v7, v7  }
0xb2: {  	v2 =	vadd.f32 v36, v2;
	v6 =	vld [tilespmem:$0x1FE10]  }
0xb3: {  	v0 =	vadd.f32 v3, v0;
	v3 =	vmul.f32 v7, v61;
	v1 =	vadd.f32 v7, v1;
	v7 =	vld [tilespmem:$0x1FE30]  }
0xb4: {  	v2 =	vadd.f32 v43, v2;
	_ =	sdelay $0x1  }
0xb5: {  	v2 =	vadd.f32 v61, v2;
	v5 =	vmul.f32 v5, v5  }
0xb6: {  	v4 =	vadd.f32 v6, v4;
	v6 =	vld [tilespmem:$0x1FE20]  }
0xb7: {  	v0 =	vadd.f32 v3, v0;
	v3 =	vmul.f32 v5, v7;
	v2 =	vadd.f32 v7, v2;
	v7 =	vld [tilespmem:$0x1FE40]  }
0xb8: {  	v1 =	vadd.f32 v5, v1;
	v5 =	vld [tilespmem:$0x1FE60];
	_ =	sdelay $0x2  }
0xb9: {  	v6 =	vmul.f32 v6, v6  }
0xba: {  	v4 =	vadd.f32 v7, v4;
	v7 =	vld [tilespmem:$0x1FE50]  }
0xbb: {  	v0 =	vadd.f32 v3, v0;
	v3 =	vmul.f32 v6, v5;
	v2 =	vadd.f32 v5, v2;
	v5 =	vld [tilespmem:$0x1FE70];
	_ =	sdelay $0x4  }
0xbc: {  	v1 =	vadd.f32 v6, v1;
	v7 =	vmul.f32 v7, v7;
	v4 =	vadd.f32 v5, v4;
	v5 =	vld [tilespmem:$0x1FE80]  }
0xbd: {  	v6 =	vld [tilespmem:$0x1FE90]  }
0xbe: {  	v0 =	vadd.f32 v3, v0;
	v3 =	vmul.f32 v7, v39;
	v1 =	vadd.f32 v7, v1;
	v7 =	vld [tilespmem:$0x1FEB0];
	_ =	sdelay $0x2  }
0xbf: {  	v2 =	vadd.f32 v39, v2;
	v5 =	vmul.f32 v5, v5  }
0xc0: {  	v4 =	vadd.f32 v6, v4;
	v6 =	vld [tilespmem:$0x1FEA0]  }
0xc1: {  	v0 =	vadd.f32 v3, v0;
	v3 =	vmul.f32 v5, v7;
	v2 =	vadd.f32 v7, v2;
	v7 =	vld [tilespmem:$0x1FEC0];
	_ =	sdelay $0x1  }
0xc2: {  	v1 =	vadd.f32 v5, v1;
	v5 =	vld [tilespmem:$0x1FEE0];
	_ =	sdelay $0x1  }
0xc3: {  	v6 =	vmul.f32 v6, v6  }
0xc4: {  	v4 =	vadd.f32 v7, v4;
	v7 =	vld [tilespmem:$0x1FED0]  }
0xc5: {  	v0 =	vadd.f32 v3, v0;
	v3 =	vmul.f32 v6, v32;
	v1 =	vadd.f32 v6, v1;
	v6 =	vld [tilespmem:$0x1FF00]  }
0xc6: {  	v4 =	vadd.f32 v5, v4;
	v5 =	vld [tilespmem:$0x1FEF0];
	_ =	sdelay $0x1  }
0xc7: {  	v8 =	vld [tilespmem:$0x1FF30]  }
0xc8: {  	v2 =	vadd.f32 v32, v2;
	v7 =	vmul.f32 v7, v7  }
0xc9: {  	v0 =	vadd.f32 v3, v0  }
0xca: {  	v2 =	vadd.f32 v6, v2;
	v5 =	vmul.f32 v5, v5;
	v3 =	vmul.f32 v7, v6;
	v6 =	vld [tilespmem:$0x1FF10];
	_ =	sdelay $0x1  }
0xcb: {  	v2 =	vadd.f32 v8, v2;
	v0 =	vadd.f32 v3, v0;
	v3 =	vmul.f32 v5, v8;
	v8 =	vld [tilespmem:$0x1FF40];
	_ =	sdelay $0x1  }
0xcc: {  	v1 =	vadd.f32 v7, v1  }
0xcd: {  	v4 =	vadd.f32 v6, v4;
	v6 =	vld [tilespmem:$0x1FF20]  }
0xce: {  	v1 =	vadd.f32 v5, v1;
	v5 =	vld [tilespmem:$0x1FF60]  }
0xcf: {  	v4 =	vadd.f32 v8, v4;
	v8 =	vld [tilespmem:$0x1FF50];
	_ =	sdelay $0x1  }
0xd0: {  	v11 =	vld [tilespmem:$0x1FF90]  }
0xd1: {  	v6 =	vmul.f32 v6, v6  }
0xd2: {  	v10 =	vld [tilespmem:$0x1FF80];
	v0 =	vadd.f32 v3, v0  }
0xd3: {  	v2 =	vadd.f32 v5, v2;
	v8 =	vmul.f32 v8, v8;
	v3 =	vmul.f32 v6, v5;
	v5 =	vld [tilespmem:$0x1FF70]  }
0xd4: {  	v7 =	vld [tilespmem:s12+$0x4C70]  }
0xd5: {  	v2 =	vadd.f32 v11, v2;
	v0 =	vadd.f32 v3, v0;
	v3 =	vmul.f32 v8, v11;
	v11 =	vld [tilespmem:$0x1FFA0];
	_ =	sdelay $0x2  }
0xd6: {  	v4 =	vadd.f32 v5, v4;
	_ =	sdelay $0x1  }
0xd7: {  	v53 =	vld [tilespmem:$0x1FFB0];
	s12 =	smov.u32 s15;
	v5 =	vmul.f32 v10, v10;
	v10 =	vmul.f32 v10, v7;
	v4 =	vadd.f32 v11, v4  }
0xd8: {  	v1 =	vadd.f32 v6, v1;
	v6 =	vld [tilespmem:s12+$0xC00]  }
0xd9: {  	v33 =	vadd.f32 v10, v4;
	v4 =	vld [tilespmem:$0x1FFC0];
	_ =	sdelay $0x1  }
0xda: {  	v38 =	vld [tilespmem:s15+$0xC30];
	v1 =	vadd.f32 v8, v1  }
0xdb: {  	(erf) = vpow2.f32 v53;
	v9 =	vld [tilespmem:s12+$0xC10];
	v0 =	vadd.f32 v3, v0  }
0xdc: {  	v3 =	vmul.f32 v5, v7;
	v44 =	vadd.f32 v5, v1;
	v5 =	vsub.f32 $0.0e+00, v6;
	v6 =	vld [tilespmem:$0x1FFE0]  }
0xdd: {  	(erf) = vpow2.f32 v4;
	v4 =	vld [tilespmem:$0x1FFD0]  }
0xde: {  	v32 =	vadd.f32 v7, v2;
	v7 =	vld [tilespmem:$0x1FFF0]  }
0xdf: {  	v11 =	vld [tilespmem:s12+$0x870]  }
0xe0: {  	v38 =	vsub.f32 $0.0e+00, v38;
	v8 =	vld [tilespmem:s12+$0x860]  }
0xe1: {  	v2 =	vld [tilespmem:s12+$0x850];
	v1 =	vsub.f32 $0.0e+00, v9  }
0xe2: {  	v60 =	vadd.f32 v3, v0;
	v0 =	vld [tilespmem:s12+$0x840];
	v3 =	vmul.f32 $1.442695020e+00, v38;
	(erf) = vpow2.f32 v4  }
0xe3: {  	v6 =	vmul.f32 $1.442695020e+00, v6;
	v4 =	vld [tilespmem:s12+$0x830];
	(erf) = vpow2.f32 v7  }
0xe4: {  	v1 =	vmul.f32 $1.442695020e+00, v1;
	v9 =	vsub.f32 $0.0e+00, v11;
	v7 =	vld [tilespmem:s12+$0x820];
	(erf) = vpow2.f32 v3  }
0xe5: {  	v8 =	vsub.f32 $0.0e+00, v8;
	v5 =	vmul.f32 $1.442695020e+00, v5;
	v3 =	vld [tilespmem:s12+$0x810];
	(erf) = vpow2.f32 v6  }
0xe6: {  	v2 =	vsub.f32 $0.0e+00, v2;
	v9 =	vmul.f32 $1.442695020e+00, v9;
	v6 =	vld [tilespmem:s12+$0x800];
	(erf) = vpow2.f32 v1  }
0xe7: {  	v10 =	vmul.f32 $1.442695020e+00, v8;
	v0 =	vsub.f32 $0.0e+00, v0;
	v1 =	vld [tilespmem:s12+$0x470];
	(erf) = vpow2.f32 v5  }
0xe8: {  	v11 =	vmul.f32 $1.442695020e+00, v2;
	v5 =	vld [tilespmem:s12+$0x460];
	v4 =	vsub.f32 $0.0e+00, v4;
	(erf) = vpow2.f32 v9  }
0xe9: {  	v8 =	vpop (erf);
	v54 =	vmul.f32 $1.442695020e+00, v0;
	v9 =	vld [tilespmem:s12+$0x450];
	v7 =	vsub.f32 $0.0e+00, v7;
	(erf) = vpow2.f32 v10  }
0xea: {  	v2 =	vpop (erf);
	v10 =	vld [tilespmem:s12+$0x440];
	v3 =	vsub.f32 $0.0e+00, v3;
	v55 =	vmul.f32 $1.442695020e+00, v4;
	(erf) = vpow2.f32 v11  }
0xeb: {  	v11 =	vld [tilespmem:s12+$0x430];
	v6 =	vsub.f32 $0.0e+00, v6;
	v56 =	vmul.f32 $1.442695020e+00, v7;
	(erf) = vpow2.f32 v54;
	v0 =	vpop (erf)  }
0xec: {  	v57 =	vld [tilespmem:s12+$0x420];
	v1 =	vsub.f32 $0.0e+00, v1;
	v15 =	vmul.f32 $1.442695020e+00, v3;
	(erf) = vpow2.f32 v55;
	v4 =	vpop (erf)  }
0xed: {  	v58 =	vld [tilespmem:s12+$0x410];
	v5 =	vsub.f32 $0.0e+00, v5;
	v16 =	vmul.f32 $1.442695020e+00, v6;
	(erf) = vpow2.f32 v56;
	v7 =	vpop (erf)  }
0xee: {  	v59 =	vld [tilespmem:s12+$0x400];
	v9 =	vsub.f32 $0.0e+00, v9;
	v17 =	vmul.f32 $1.442695020e+00, v1;
	(erf) = vpow2.f32 v15;
	v3 =	vpop (erf)  }
0xef: {  	v15 =	vld [tilespmem:s12+$0x70];
	v10 =	vsub.f32 $0.0e+00, v10;
	v18 =	vmul.f32 $1.442695020e+00, v5;
	(erf) = vpow2.f32 v16;
	v6 =	vpop (erf)  }
0xf0: {  	v16 =	vld [tilespmem:s12+$0x60];
	v11 =	vsub.f32 $0.0e+00, v11;
	v19 =	vmul.f32 $1.442695020e+00, v9;
	(erf) = vpow2.f32 v17;
	v1 =	vpop (erf)  }
0xf1: {  	v12 =	vsub.f32 $0.0e+00, v57;
	v17 =	vld [tilespmem:s12+$0x50];
	v20 =	vmul.f32 $1.442695020e+00, v10;
	(erf) = vpow2.f32 v18;
	v5 =	vpop (erf)  }
0xf2: {  	v13 =	vsub.f32 $0.0e+00, v58;
	v18 =	vld [tilespmem:s12+$0x40];
	v21 =	vmul.f32 $1.442695020e+00, v11;
	(erf) = vpow2.f32 v19;
	v9 =	vpop (erf)  }
0xf3: {  	v14 =	vsub.f32 $0.0e+00, v59;
	v22 =	vmul.f32 $1.442695020e+00, v12;
	v19 =	vld [tilespmem:s12+$0x30];
	(erf) = vpow2.f32 v20;
	v10 =	vpop (erf)  }
0xf4: {  	v23 =	vmul.f32 $1.442695020e+00, v13;
	v20 =	vld [tilespmem:s12+$0x20];
	v15 =	vsub.f32 $0.0e+00, v15;
	(erf) = vpow2.f32 v21;
	v11 =	vpop (erf)  }
0xf5: {  	v24 =	vmul.f32 $1.442695020e+00, v14;
	v21 =	vld [tilespmem:s12+$0x10];
	v16 =	vsub.f32 $0.0e+00, v16;
	(erf) = vpow2.f32 v22;
	v61 =	vpop (erf)  }
0xf6: {  	v22 =	vld [tilespmem:s12+$0x0];
	v26 =	vsub.f32 $0.0e+00, v17;
	v25 =	vmul.f32 $1.442695020e+00, v15;
	(erf) = vpow2.f32 v23;
	v62 =	vpop (erf)  }
0xf7: {  	v18 =	vsub.f32 $0.0e+00, v18;
	v16 =	vmul.f32 $1.442695020e+00, v16;
	(erf) = vpow2.f32 v24;
	v63 =	vpop (erf)  }
0xf8: {  	v24 =	vsub.f32 $0.0e+00, v19;
	v23 =	vmul.f32 $1.442695020e+00, v26;
	(erf) = vpow2.f32 v25;
	v15 =	vpop (erf)  }
0xf9: {  	v26 =	vsub.f32 $0.0e+00, v20;
	v18 =	vmul.f32 $1.442695020e+00, v18;
	(erf) = vpow2.f32 v16;
	v17 =	vpop (erf)  }
0xfa: {  	v16 =	vsub.f32 $0.0e+00, v21;
	v24 =	vmul.f32 $1.442695020e+00, v24;
	(erf) = vpow2.f32 v23;
	v19 =	vpop (erf)  }
0xfb: {  	v27 =	vsub.f32 $0.0e+00, v22;
	v23 =	vmul.f32 $1.442695020e+00, v26;
	(erf) = vpow2.f32 v18;
	v25 =	vpop (erf)  }
0xfc: {  	v16 =	vmul.f32 $1.442695020e+00, v16;
	(erf) = vpow2.f32 v24;
	v20 =	vpop (erf)  }
0xfd: {  	v18 =	vmul.f32 $1.442695020e+00, v27;
	(erf) = vpow2.f32 v23;
	v21 =	vpop (erf)  }
0xfe: {  	v8 =	vadd.f32 $1.000000000e+00, v8;
	(erf) = vpow2.f32 v16;
	v22 =	vpop (erf)  }
0xff: {  	v2 =	vadd.f32 $1.000000000e+00, v2;
	(erf) = vpow2.f32 v18;
	v23 =	vpop (erf)  }
0x100: {  	v0 =	vadd.f32 $1.000000000e+00, v0;
	v40 =	vpop (erf);
	(erf) = vrcp.f32 v8  }
0x101: {  	v4 =	vadd.f32 $1.000000000e+00, v4;
	v39 =	vpop (erf);
	(erf) = vrcp.f32 v2  }
0x102: {  	v2 =	vadd.f32 $1.000000000e+00, v7;
	v41 =	vpop (erf);
	(erf) = vrcp.f32 v0  }
0x103: {  	v0 =	vadd.f32 $1.000000000e+00, v3;
	v38 =	vpop (erf);
	(erf) = vrcp.f32 v4  }
0x104: {  	v3 =	vadd.f32 $1.000000000e+00, v6;
	v37 =	vpop (erf);
	(erf) = vrcp.f32 v2  }
0x105: {  	v1 =	vadd.f32 $1.000000000e+00, v1;
	v35 =	vpop (erf);
	(erf) = vrcp.f32 v0  }
0x106: {  	v0 =	vadd.f32 $1.000000000e+00, v5;
	v31 =	vpop (erf);
	(erf) = vrcp.f32 v3  }
0x107: {  	v45 =	vld [tilespmem:s12+$0x4C60];
	v2 =	vadd.f32 $1.000000000e+00, v9;
	v34 =	vpop (erf);
	(erf) = vrcp.f32 v1  }
0x108: {  	p0 =	sne.s32 s13, $0x3E00;
	v47 =	vld [tilespmem:s12+$0x4C50];
	v1 =	vadd.f32 $1.000000000e+00, v10;
	v28 =	vpop (erf);
	(erf) = vrcp.f32 v0  }
.Ltmp0:
0x109: {  	v52 =	vld [tilespmem:s12+$0x4C40];
	v0 =	vadd.f32 $1.000000000e+00, v11;
	(erf) = vrcp.f32 v2;
	v36 =	vpop (erf);
	(pc) =	sbr.rel @p0 .LBB2_2-.Ltmp0, $4  }
0x10a: {  	v55 =	vld [tilespmem:s12+$0x4C30];
	v2 =	vadd.f32 $1.000000000e+00, v61;
	(erf) = vrcp.f32 v1;
	v50 =	vpop (erf)  }
0x10b: {  	v6 =	vld [tilespmem:s12+$0x4C10];
	v3 =	vadd.f32 $1.000000000e+00, v62;
	(erf) = vrcp.f32 v0;
	v57 =	vpop (erf)  }
0x10c: {  	v5 =	vld [tilespmem:s12+$0x4C20];
	(erf) = vrcp.f32 v2;
	v24 =	vpop (erf)  }
0x10d: {  	s13 =	sadd.s32 $0x200, s13;
	v10 =	vld [tilespmem:s12+$0x4C00];
	v1 =	vadd.f32 $1.000000000e+00, v15;
	v0 =	vadd.f32 $1.000000000e+00, v63;
	(erf) = vrcp.f32 v3;
	v9 =	vpop (erf)  }
0x10e: {  	_ = 	snop  }
0x10f: {  	v2 =	vadd.f32 $1.000000000e+00, v17;
	v17 =	vpop (erf);
	(erf) = vrcp.f32 v0  }
0x110: {  	v42 =	vadd.f32 $1.000000000e+00, v19;
	v18 =	vpop (erf);
	(erf) = vrcp.f32 v1  }
0x111: {  	v43 =	vadd.f32 $1.000000000e+00, v25;
	v19 =	vpop (erf);
	(erf) = vrcp.f32 v2  }
0x112: {  	v46 =	vadd.f32 $1.000000000e+00, v20;
	v20 =	vpop (erf);
	(erf) = vrcp.f32 v42  }
0x113: {  	v48 =	vadd.f32 $1.000000000e+00, v21;
	v21 =	vpop (erf);
	(erf) = vrcp.f32 v43  }
0x114: {  	v49 =	vadd.f32 $1.000000000e+00, v22;
	v22 =	vpop (erf);
	(erf) = vrcp.f32 v46  }
0x115: {  	v51 =	vadd.f32 $1.000000000e+00, v23;
	v23 =	vpop (erf);
	(erf) = vrcp.f32 v48  }
0x116: {  	v53 =	vadd.f32 $1.000000000e+00, v40;
	v42 =	vpop (erf);
	(erf) = vrcp.f32 v49  }
0x117: {  	v54 =	vadd.f32 $1.000000000e+00, v39;
	v25 =	vpop (erf);
	(erf) = vrcp.f32 v51  }
0x118: {  	v56 =	vadd.f32 $1.000000000e+00, v41;
	v4 =	vadd.f32 $1.000000000e+00, v37;
	(erf) = vrcp.f32 v53;
	v26 =	vpop (erf)  }
0x119: {  	v3 =	vadd.f32 $1.000000000e+00, v38;
	(erf) = vrcp.f32 v54;
	v0 =	vpop (erf)  }
0x11a: {  	(erf) = vrcp.f32 v56;
	v2 =	vpop (erf)  }
0x11b: {  	v58 =	vadd.f32 $1.000000000e+00, v35;
	(erf) = vrcp.f32 v3;
	v1 =	vpop (erf)  }
0x11c: {  	v59 =	vadd.f32 $1.000000000e+00, v31;
	v7 =	vadd.f32 $1.000000000e+00, v28;
	(erf) = vrcp.f32 v4;
	v4 =	vpop (erf)  }
0x11d: {  	v61 =	vadd.f32 $1.000000000e+00, v34;
	v37 =	vmov v5;
	(erf) = vrcp.f32 v58;
	v5 =	vpop (erf)  }
0x11e: {  	(erf) = vrcp.f32 v59;
	v3 =	vpop (erf)  }
0x11f: {  	v38 =	vmov v6;
	(erf) = vrcp.f32 v61;
	v6 =	vpop (erf)  }
0x120: {  	(erf) = vrcp.f32 v7;
	v7 =	vpop (erf)  }
0x121: {  	v49 =	vld [tilespmem:s12+$0x4040];
	v8 =	vpop (erf)  }
0x122: {  	v39 =	vmov v9;
	v43 =	vld [tilespmem:s12+$0x4030];
	v9 =	vpop (erf)  }
0x123: {  	v29 =	vld [tilespmem:s12+$0x4020];
	v40 =	vmov v10;
	v10 =	vpop (erf)  }
0x124: {  	v27 =	vld [tilespmem:s12+$0x4010];
	v11 =	vpop (erf)  }
0x125: {  	v14 =	vld [tilespmem:s12+$0x4000];
	v12 =	vpop (erf)  }
0x126: {  	v13 =	vpop (erf);
	v59 =	vmul.f32 v12, v12;
	v12 =	vmul.f32 v12, v49  }
0x127: {  	v56 =	vld [tilespmem:s12+$0x4050];
	v15 =	vpop (erf);
	v58 =	vmul.f32 v13, v13;
	v13 =	vmul.f32 v13, v43  }
0x128: {  	v16 =	vpop (erf);
	v46 =	vmul.f32 v15, v15;
	v15 =	vmul.f32 v15, v29  }
0x129: {  	v62 =	vpop (erf);
	v41 =	vmul.f32 v16, v16;
	v16 =	vmul.f32 v16, v27  }
0x12a: {  	v30 =	vmul.f32 v62, v62;
	v28 =	vmul.f32 v62, v14  }
0x12b: {  	v54 =	vmul.f32 v46, v29;
	v62 =	vmul.f32 v11, v11  }
0x12c: {  	v11 =	vmul.f32 v11, v56;
	v63 =	vmul.f32 v30, v14  }
0x12d: {  	v48 =	vmul.f32 v41, v27;
	v14 =	vadd.f32 v14, v32;
	v28 =	vadd.f32 v28, v33  }
0x12e: {  	v30 =	vadd.f32 v30, v44;
	v33 =	vld [tilespmem:s12+$0x4070];
	v35 =	vmul.f32 v62, v56;
	v31 =	vadd.f32 v63, v60  }
0x12f: {  	v44 =	vmul.f32 v9, v9;
	v14 =	vadd.f32 v27, v14;
	v16 =	vadd.f32 v16, v28  }
0x130: {  	v61 =	vld [tilespmem:s12+$0x4060];
	v51 =	vadd.f32 v41, v30;
	v60 =	vmul.f32 v58, v43;
	v53 =	vadd.f32 v48, v31  }
0x131: {  	v63 =	vmul.f32 v59, v49;
	v41 =	vld [tilespmem:s12+$0x4400];
	v14 =	vadd.f32 v29, v14;
	v15 =	vadd.f32 v15, v16  }
0x132: {  	v28 =	vadd.f32 v46, v51;
	v48 =	vmul.f32 v8, v8;
	v29 =	vmul.f32 v4, v4  }
0x133: {  	v31 =	vmul.f32 v1, v1;
	v9 =	vmul.f32 v9, v33;
	v30 =	vadd.f32 v54, v53  }
0x134: {  	v46 =	vld [tilespmem:s12+$0x4410];
	v14 =	vadd.f32 v43, v14;
	v13 =	vadd.f32 v13, v15;
	v43 =	vmul.f32 v10, v10  }
0x135: {  	v51 =	vld [tilespmem:s12+$0x4420];
	v16 =	vadd.f32 v58, v28;
	v10 =	vmul.f32 v10, v61;
	v58 =	vmul.f32 v7, v7  }
0x136: {  	v28 =	vmul.f32 v5, v5;
	v8 =	vmul.f32 v8, v41;
	v30 =	vadd.f32 v60, v30  }
0x137: {  	v54 =	vmul.f32 v48, v41;
	v14 =	vadd.f32 v49, v14;
	v12 =	vadd.f32 v12, v13  }
0x138: {  	v16 =	vadd.f32 v59, v16;
	v15 =	vmul.f32 v43, v61;
	v49 =	vmul.f32 v44, v33  }
0x139: {  	v59 =	vmul.f32 v6, v6;
	v60 =	vld [tilespmem:s12+$0x4440];
	v7 =	vmul.f32 v7, v46;
	v34 =	vadd.f32 v63, v30  }
0x13a: {  	v6 =	vmul.f32 v6, v51;
	v14 =	vadd.f32 v56, v14;
	v11 =	vadd.f32 v11, v12;
	v56 =	vld [tilespmem:s12+$0x4430]  }
0x13b: {  	v16 =	vadd.f32 v62, v16;
	v62 =	vmul.f32 v59, v51;
	v63 =	vld [tilespmem:s12+$0x4450];
	v27 =	vadd.f32 v35, v34  }
0x13c: {  	v14 =	vadd.f32 v61, v14;
	v10 =	vadd.f32 v10, v11;
	v11 =	vmul.f32 v58, v46  }
0x13d: {  	v30 =	vld [tilespmem:s12+$0x4470];
	v12 =	vadd.f32 v43, v16;
	v61 =	vmul.f32 v3, v3;
	v43 =	vmul.f32 v0, v0  }
0x13e: {  	v5 =	vmul.f32 v5, v60;
	v15 =	vadd.f32 v15, v27;
	v13 =	vadd.f32 v33, v14  }
0x13f: {  	v9 =	vadd.f32 v9, v10;
	v12 =	vadd.f32 v44, v12;
	v27 =	vld [tilespmem:s12+$0x4460];
	v3 =	vmul.f32 v3, v56  }
0x140: {  	v33 =	vld [tilespmem:s12+$0x4800];
	v16 =	vmul.f32 v61, v56;
	v4 =	vmul.f32 v4, v63;
	v53 =	vadd.f32 v49, v15  }
0x141: {  	v44 =	vld [tilespmem:s12+$0x4820];
	v32 =	vmul.f32 v29, v63;
	v13 =	vadd.f32 v41, v13;
	v8 =	vadd.f32 v8, v9  }
0x142: {  	v35 =	vld [tilespmem:s12+$0x4810];
	v12 =	vadd.f32 v48, v12;
	v41 =	vmul.f32 v2, v2;
	v2 =	vmul.f32 v2, v30  }
0x143: {  	v14 =	vadd.f32 v54, v53;
	v7 =	vadd.f32 v7, v8;
	v8 =	vmul.f32 v28, v60  }
0x144: {  	v13 =	vadd.f32 v46, v13;
	v46 =	vmul.f32 v26, v26;
	v1 =	vmul.f32 v1, v27  }
0x145: {  	v9 =	vadd.f32 v58, v12;
	v34 =	vmul.f32 v31, v27;
	v0 =	vmul.f32 v0, v33  }
0x146: {  	v49 =	vld [tilespmem:s12+$0x4830];
	v48 =	vmul.f32 v43, v33;
	v58 =	vmul.f32 v25, v44;
	v11 =	vadd.f32 v11, v14  }
0x147: {  	v54 =	vld [tilespmem:s12+$0x4840];
	v10 =	vadd.f32 v51, v13;
	v6 =	vadd.f32 v6, v7;
	v51 =	vmul.f32 v26, v35  }
0x148: {  	v9 =	vadd.f32 v59, v9;
	v53 =	vmul.f32 v46, v35;
	v59 =	vmul.f32 v42, v42  }
0x149: {  	v12 =	vld [tilespmem:s12+$0x4860];
	v26 =	vmul.f32 v20, v20;
	v11 =	vadd.f32 v62, v11;
	v10 =	vadd.f32 v56, v10  }
0x14a: {  	v3 =	vadd.f32 v3, v6;
	v9 =	vadd.f32 v61, v9;
	v56 =	vmul.f32 v25, v25  }
0x14b: {  	v61 =	vmul.f32 v42, v49;
	v62 =	vmul.f32 v23, v23;
	v10 =	vadd.f32 v60, v10  }
0x14c: {  	v13 =	vmul.f32 v23, v54;
	v11 =	vadd.f32 v16, v11;
	v3 =	vadd.f32 v5, v3  }
0x14d: {  	v15 =	vld [tilespmem:s12+$0x4870];
	v23 =	vmul.f32 v21, v21;
	v6 =	vadd.f32 v28, v9;
	v7 =	vadd.f32 v63, v10  }
0x14e: {  	v25 =	vmul.f32 v21, v12;
	v8 =	vadd.f32 v8, v11;
	v3 =	vadd.f32 v4, v3  }
0x14f: {  	v5 =	vmul.f32 v41, v30;
	v6 =	vadd.f32 v29, v6;
	v7 =	vadd.f32 v27, v7  }
0x150: {  	v14 =	vmul.f32 v62, v54;
	v8 =	vadd.f32 v32, v8;
	v1 =	vadd.f32 v1, v3  }
0x151: {  	v16 =	vmul.f32 v22, v22;
	v6 =	vadd.f32 v31, v6;
	v7 =	vadd.f32 v30, v7  }
0x152: {  	v28 =	vmul.f32 v20, v15;
	v8 =	vadd.f32 v34, v8;
	v1 =	vadd.f32 v2, v1  }
0x153: {  	v63 =	vmul.f32 v59, v49;
	v3 =	vadd.f32 v41, v6;
	v4 =	vadd.f32 v33, v7  }
0x154: {  	v60 =	vld [tilespmem:s12+$0x4850];
	v29 =	vmul.f32 v26, v15;
	v5 =	vadd.f32 v5, v8;
	v0 =	vadd.f32 v0, v1  }
0x155: {  	v27 =	vmul.f32 v23, v12;
	v3 =	vadd.f32 v43, v3;
	v4 =	vadd.f32 v35, v4  }
0x156: {  	v31 =	vmul.f32 v19, v40;
	v5 =	vadd.f32 v48, v5;
	v0 =	vadd.f32 v51, v0  }
0x157: {  	v32 =	vmul.f32 v18, v18;
	v3 =	vadd.f32 v46, v3;
	v4 =	vadd.f32 v44, v4  }
0x158: {  	v2 =	vmul.f32 v56, v44;
	v5 =	vadd.f32 v53, v5;
	v0 =	vadd.f32 v58, v0  }
0x159: {  	v22 =	vmul.f32 v22, v60;
	v3 =	vadd.f32 v56, v3;
	v1 =	vadd.f32 v49, v4  }
0x15a: {  	v6 =	vmul.f32 v16, v60;
	v2 =	vadd.f32 v2, v5;
	v0 =	vadd.f32 v61, v0  }
0x15b: {  	v30 =	vmul.f32 v19, v19;
	v3 =	vadd.f32 v59, v3;
	v1 =	vadd.f32 v54, v1  }
0x15c: {  	v34 =	vmul.f32 v18, v38;
	v2 =	vadd.f32 v63, v2;
	v0 =	vadd.f32 v13, v0  }
0x15d: {  	v41 =	vmul.f32 v17, v37;
	v3 =	vadd.f32 v62, v3;
	v1 =	vadd.f32 v60, v1  }
0x15e: {  	v33 =	vmul.f32 v30, v40;
	v2 =	vadd.f32 v14, v2;
	v0 =	vadd.f32 v22, v0  }
0x15f: {  	v43 =	vmul.f32 v39, v39;
	v3 =	vadd.f32 v16, v3;
	v1 =	vadd.f32 v12, v1  }
0x160: {  	v35 =	vmul.f32 v17, v17;
	v2 =	vadd.f32 v6, v2;
	v0 =	vadd.f32 v25, v0  }
0x161: {  	v46 =	vmul.f32 v24, v24;
	v3 =	vadd.f32 v23, v3;
	v1 =	vadd.f32 v15, v1  }
0x162: {  	v48 =	vmul.f32 v43, v55;
	v2 =	vadd.f32 v27, v2;
	v0 =	vadd.f32 v28, v0  }
0x163: {  	v42 =	vmul.f32 v35, v37;
	v3 =	vadd.f32 v26, v3;
	v1 =	vadd.f32 v40, v1  }
0x164: {  	v44 =	vmul.f32 v39, v55;
	v2 =	vadd.f32 v29, v2;
	v0 =	vadd.f32 v31, v0  }
0x165: {  	v51 =	vmul.f32 v46, v52;
	v3 =	vadd.f32 v30, v3;
	v1 =	vadd.f32 v38, v1  }
0x166: {  	v40 =	vmul.f32 v32, v38;
	v2 =	vadd.f32 v33, v2;
	v0 =	vadd.f32 v34, v0  }
0x167: {  	v53 =	vmul.f32 v57, v47;
	v3 =	vadd.f32 v32, v3;
	v1 =	vadd.f32 v37, v1  }
0x168: {  	v58 =	vmul.f32 v50, v50;
	v2 =	vadd.f32 v40, v2;
	v0 =	vadd.f32 v41, v0  }
0x169: {  	v49 =	vmul.f32 v24, v52;
	v3 =	vadd.f32 v35, v3;
	v1 =	vadd.f32 v55, v1  }
0x16a: {  	v59 =	vmul.f32 v36, v36;
	v2 =	vadd.f32 v42, v2;
	v0 =	vadd.f32 v44, v0  }
0x16b: {  	v54 =	vmul.f32 v57, v57;
	v3 =	vadd.f32 v43, v3;
	v55 =	vld [tilespmem:s12+$0x4C70];
	v1 =	vadd.f32 v52, v1  }
0x16c: {  	v57 =	vmul.f32 v50, v45;
	v2 =	vadd.f32 v48, v2;
	v0 =	vadd.f32 v49, v0  }
0x16d: {  	v63 =	vimm.f32 $0.0e+00;
	v3 =	vadd.f32 v46, v3;
	v1 =	vadd.f32 v47, v1  }
0x16e: {  	v56 =	vmul.f32 v54, v47;
	v2 =	vadd.f32 v51, v2;
	v0 =	vadd.f32 v53, v0  }
0x16f: {  	v60 =	vmul.f32 v58, v45;
	[tilespmem:$0x8040] =	vst v63;
	v3 =	vadd.f32 v54, v3;
	v1 =	vadd.f32 v45, v1  }
0x170: {  	[tilespmem:$0x8050] =	vst v63;
	v61 =	vmul.f32 v36, v55;
	v2 =	vadd.f32 v56, v2;
	v0 =	vadd.f32 v57, v0  }
0x171: {  	[tilespmem:$0x8060] =	vst v63;
	v3 =	vadd.f32 v58, v3;
	v1 =	vadd.f32 v55, v1  }
0x172: {  	[tilespmem:$0x8070] =	vst v63;
	v4 =	vmul.f32 v59, v55;
	v2 =	vadd.f32 v60, v2;
	v0 =	vadd.f32 v61, v0  }
0x173: {  	v3 =	vadd.f32 v59, v3;
	[tilespmem:$0x8000] =	vst v1  }
0x174: {  	s11 =	sadd.s32 $0x1, s11;
	v62 =	vadd.f32 v4, v2;
	[tilespmem:$0x8010] =	vst v0  }
0x175: {  	p0 =	sne.s32 s11, s6;
	[tilespmem:$0x8020] =	vst v3  }
.Ltmp1:
0x176: {  	[tilespmem:$0x8030] =	vst v62;
	(pc) =	sbr.rel @p0 .LBB2_1-.Ltmp1, $4  }
0x177: {  	[hbm4b:s5+s2] =	stream.linear.scatter [tilespmem:s9], [sflag:$0x2], $0x80, $0x38;
	[tilespmem:$0x8080] =	vst v63  }
0x178: {  	_ =	swait.ge [sflag:s10], $0x80  }
0x179: {  	[sflag:s10] =	ssyncset.done $0x0  }
0x17a: {  	[sflag:s10] =	ssyncadd.s32 $0xFFFFFF80  }
0x17b: {  	_ =	sfence.sel $0x180000  }
0x17c: {  	[bflag:$0x0] =	sbarrier.arrive $0xFFFF  }
0x17d: {  	p0 =	sne.s32 s1, $0x0;
	_ =	strace $0x90000047  }
0x17e: {  	s0 =	sadd.s32 @!p0 $0x100000, s0;
	[bflag:$0x2] =	sbarrier.arrive $0xFFFF  }
0x17f: {  	[sflag:s0] =	ssyncadd.tile.s32 @!p0 $0x1;
	_ =	shalt  }
.Lfunc_end2:
_tile_overlayer_lowered:
.L_overlay_start_2:
0x180: {  	(tag) =	ssettag $0x2  }
0x181: {  	s0 =	rddreg [dreg:$0x0];
	s2 =	stileid.u32  }
0x182: {  	s1 =	rddreg [dreg:$0x1];
	p0 =	sne.s32 s2, $0x0  }
0x183: {  	s3 =	rddreg [dreg:$0x2];
	[bflag:$0x3] =	sbarrier.arrive $0xFFFF;
	s2 =	simm.s32 @!p0 $0x1C02  }
0x184: {  	[timem:s3], [sflag:s2] =	dma.local @!p0 [hbm:s0], s1  }
0x185: {  	s0 =	simm.s32 @!p0 $0x2  }
0x186: {  	_ =	swait.ge @!p0 [sflag:s0], s1  }
0x187: {  	s1 =	ssub.s32 @!p0 $0x0, s1;
	[sflag:s0] =	ssyncset.done @!p0 $0x0  }
0x188: {  	[sflag:s0] =	ssyncadd.s32 @!p0 s1  }
0x189: {  	[bflag:$0x3] =	sbarrier.arrive $0xFFFF  }
0x18a: {  	_ =	shalt  }

</sc_bundles>
